<compile_context>
chip_gen: v7x
topology: tpu7x:2x2x1
jax: 0.10.2.dev20260603
libtpu: 0.0.44.dev20260713+nightly
codegen_flags: <defaults>
</compile_context>

<pallas_src>
import functools

import jax
import jax.numpy as jnp
from jax import lax
from jax.experimental import pallas as pl
from jax.experimental.pallas import tpu as pltpu
from jax.experimental.pallas import tpu_sc as plsc

SMOOTH = 0.001

NUM_CORES = 2
NUM_SUBCORES = 16
NUM_WORKERS = NUM_CORES * NUM_SUBCORES
LANES = 16
CHUNK = 2048


def _sc_dice_kernel(x_hbm, t_hbm, out_hbm, xb, tb, pb, sem, c, vw):
    wid = lax.axis_index("s") * NUM_CORES + lax.axis_index("c")
    base = wid * vw

    def chunk_body(k, carry):
        pt, p0, cn = carry
        off = base + k * CHUNK
        cp_x = pltpu.make_async_copy(x_hbm.at[:, pl.ds(off, CHUNK)], xb, sem)
        cp_x.start()
        pltpu.sync_copy(t_hbm.at[pl.ds(off, CHUNK)], tb)
        cp_x.wait()

        def grp(g, carry2):
            pt2, p02, cn2 = carry2
            sl = pl.ds(g * LANES, LANES)
            t = tb[sl]
            e0 = jnp.exp(xb[0, sl])
            denom = e0
            et = jnp.zeros((LANES,), jnp.float32)
            for ch in range(1, c):
                ec = jnp.exp(xb[ch, sl])
                denom = denom + ec
                et = et + jnp.where(t == ch, ec, 0.0)
            inv = 1.0 / denom
            return (pt2 + et * inv,
                    p02 + e0 * inv,
                    cn2 + jnp.where(t > 0, 1.0, 0.0))

        return lax.fori_loop(0, CHUNK // LANES, grp, (pt, p0, cn))

    z = jnp.zeros((LANES,), jnp.float32)
    pt, p0, cn = lax.fori_loop(0, vw // CHUNK, chunk_body, (z, z, z))
    pb[0] = pt
    pb[1] = p0
    pb[2] = cn
    pltpu.sync_copy(pb, out_hbm.at[wid])


@jax.jit
def kernel(inputs, targets):
    n, c, d, h, w = inputs.shape
    v = n * d * h * w
    x = inputs.reshape(c, v)
    t = targets.reshape(v)
    vw = v // NUM_WORKERS

    mesh = plsc.VectorSubcoreMesh(core_axis_name="c", subcore_axis_name="s")
    partials = pl.kernel(
        functools.partial(_sc_dice_kernel, c=c, vw=vw),
        out_type=jax.ShapeDtypeStruct((NUM_WORKERS, 3, LANES), jnp.float32),
        mesh=mesh,
        scratch_types=[
            pltpu.VMEM((c, CHUNK), jnp.float32),
            pltpu.VMEM((CHUNK,), jnp.int32),
            pltpu.VMEM((3, LANES), jnp.float32),
            pltpu.SemaphoreType.DMA,
        ],
    )(x, t)

    inter_gt = jnp.sum(partials[:, 0, :])
    p0_sum = jnp.sum(partials[:, 1, :])
    cnt = jnp.sum(partials[:, 2, :])

    sum_gt = inter_gt + cnt
    sum_bg = v - p0_sum - inter_gt
    sum_volume = (c - 1) * v - cnt

    loss_gt = 1.0 - (2.0 * inter_gt + SMOOTH) / (sum_gt + SMOOTH)
    loss_bg = sum_bg / sum_volume
    return (loss_gt, loss_bg)

# --- scband reference (transcript-rebuilt; emitter-appended) ---
"""Pipeline reference for scband-dual-dice-loss-27230092657346 (READ-ONLY COPY).

The authoritative reference and input builder live on the scoring server;
editing this copy changes nothing except your own understanding.
"""

import jax, jax.numpy as jnp
import numpy as np

SMOOTH = 0.001

def setup_inputs(seed: int = 0) -> dict:
    key = jax.random.key(seed)
    k1, k2 = jax.random.split(key)
    inputs = jax.random.normal(k1, (1, 24, 32, 320, 320), dtype=jnp.float32)
    targets = jax.random.randint(k2, (1, 32, 320, 320), 0, 24, dtype=jnp.int32)
    return {"inputs": inputs, "targets": targets}

def reference(inputs, targets):
    N, C, D, H, W = inputs.shape
    prob = jax.nn.softmax(inputs, axis=1)
    # scatter_(1, targets, 1.0) == one-hot along channel dim
    t_one_hot = jnp.moveaxis(jax.nn.one_hot(targets, C, dtype=inputs.dtype), -1, 1)
    prob = prob[:, 1:, :, :, :]
    t_one_hot = t_one_hot[:, 1:, :, :, :]
    mask_gt = (t_one_hot == 1)
    mask_bg = (t_one_hot == 0)
    temp = 1 - t_one_hot
    sum_volume = temp.sum()
    # prob[index_gt] * t_one_hot[index_gt] summed == masked sum
    inter_gt = jnp.sum(jnp.where(mask_gt, prob * t_one_hot, 0.0))
    inter_bg = jnp.sum(jnp.where(mask_bg, prob * t_one_hot, 0.0))
    sum_gt = jnp.sum(jnp.where(mask_gt, prob, 0.0)) + jnp.sum(jnp.where(mask_gt, t_one_hot, 0.0))
    sum_bg = jnp.sum(jnp.where(mask_bg, prob, 0.0)) + jnp.sum(jnp.where(mask_bg, t_one_hot, 0.0))
    loss_gt = 1.0 - (2.0 * inter_gt + SMOOTH) / (sum_gt + SMOOTH)
    loss_bg = sum_bg / sum_volume
    # loss_gt/loss_bg are scalars, so .mean() is identity
    return (loss_gt, loss_bg)

if __name__ == "__main__":
    import jax
    _d = setup_inputs()
    print(jax.jit(kernel)(*tuple(_d.values())))

</pallas_src>

<mosaic_0001>
#map = affine_map<(d0, d1) -> (0, 0)>
#map1 = affine_map<(d0, d1) -> (0)>
#map2 = affine_map<(d0, d1) -> (0, 0, 0)>
module attributes {stable_mosaic.version = 14 : i64} {
  func.func @_sc_dice_kernel(%arg0: i32, %arg1: i32, %arg2: memref<24x3276800xf32, #tpu.memory_space<hbm>>, %arg3: memref<3276800xi32, #tpu.memory_space<hbm>>, %arg4: memref<32x3x16xf32, #tpu.memory_space<hbm>>, %arg5: memref<24x2048xf32, #tpu.memory_space<vmem>>, %arg6: memref<2048xi32, #tpu.memory_space<vmem>>, %arg7: memref<3x16xf32, #tpu.memory_space<vmem>>, %arg8: memref<!tpu.dma_semaphore, #tpu.memory_space<semaphore_mem>>) attributes {dimension_semantics = [#tpu.dimension_semantics<core_parallel>, #tpu.dimension_semantics<subcore_parallel>], iteration_bounds = array<i64: 2, 16>, scalar_prefetch = 0 : i64, scratch_operands = 4 : i64, tpu.core_type = #tpu.core_type<sc_vector_subcore>, window_params = [{transform_indices = #map}, {transform_indices = #map1}, {transform_indices = #map2}]} {
    %mul3A = arith.constant 2 : i32
    %mul3A_0 = arith.muli %arg1, %mul3A : i32
    %add3A = arith.addi %mul3A_0, %arg0 : i32
    %mul3A_1 = arith.constant 102400 : i32
    %mul3A_2 = arith.muli %add3A, %mul3A_1 : i32
    %broadcast_in_dim3A = arith.constant 0.000000e+00 : f32
    %broadcast_in_dim3A_3 = vector.broadcast %broadcast_in_dim3A : f32 to vector<16xf32>
    %scan3A = arith.constant 0 : i32
    %scan3A_4 = arith.constant 50 : i32
    %scan3A_5 = arith.addi %scan3A, %scan3A_4 : i32
    %scan3A_6 = arith.constant 1 : i32
    %scan3A_7:3 = scf.for %scan3A_26 = %scan3A to %scan3A_5 step %scan3A_6 iter_args(%scan3A_27 = %broadcast_in_dim3A_3, %scan3A_28 = %broadcast_in_dim3A_3, %scan3A_29 = %broadcast_in_dim3A_3) -> (vector<16xf32>, vector<16xf32>, vector<16xf32>)  : i32 {
      %mul3A_30 = arith.constant 2048 : i32
      %mul3A_31 = arith.muli %scan3A_26, %mul3A_30 : i32
      %add3A_32 = arith.addi %mul3A_2, %mul3A_31 : i32
      %dma_start3A = arith.constant 0 : i32
      %dma_start3A_33 = tpu.memref_slice %arg2[%dma_start3A, %add3A_32] : memref<24x3276800xf32, #tpu.memory_space<hbm>> -> memref<24x2048xf32, #tpu.memory_space<hbm>>
      %dma_start3A_34 = arith.constant 0 : i32
      %dma_start3A_35 = tpu.memref_slice %arg2[%dma_start3A_34, %add3A_32] : memref<24x3276800xf32, #tpu.memory_space<hbm>> -> memref<24x2048xf32, #tpu.memory_space<hbm>>
      tpu.enqueue_dma source(%dma_start3A_35 : memref<24x2048xf32, #tpu.memory_space<hbm>>) target(%arg5 : memref<24x2048xf32, #tpu.memory_space<vmem>>) target_semaphore(%arg8 : memref<!tpu.dma_semaphore, #tpu.memory_space<semaphore_mem>>)
      "tpu.region"() ({
        %run_scoped3A = tpu.sem_alloc : memref<!tpu.dma_semaphore, #tpu.memory_space<semaphore_mem>>
        %dma_start3A_45 = tpu.memref_slice %arg3[%add3A_32] : memref<3276800xi32, #tpu.memory_space<hbm>> -> memref<2048xi32, #tpu.memory_space<hbm>>
        %dma_start3A_46 = tpu.memref_slice %arg3[%add3A_32] : memref<3276800xi32, #tpu.memory_space<hbm>> -> memref<2048xi32, #tpu.memory_space<hbm>>
        tpu.enqueue_dma source(%dma_start3A_46 : memref<2048xi32, #tpu.memory_space<hbm>>) target(%arg6 : memref<2048xi32, #tpu.memory_space<vmem>>) target_semaphore(%run_scoped3A : memref<!tpu.dma_semaphore, #tpu.memory_space<semaphore_mem>>)
        %dma_wait3A_47 = tpu.memref_slice %arg3[%add3A_32] : memref<3276800xi32, #tpu.memory_space<hbm>> -> memref<2048xi32, #tpu.memory_space<hbm>>
        %dma_wait3A_48 = tpu.memref_slice %arg3[%add3A_32] : memref<3276800xi32, #tpu.memory_space<hbm>> -> memref<2048xi32, #tpu.memory_space<hbm>>
        tpu.wait_dma2 semaphore(%run_scoped3A : memref<!tpu.dma_semaphore, #tpu.memory_space<semaphore_mem>>) src(%dma_wait3A_48 : memref<2048xi32, #tpu.memory_space<hbm>>) dst(%arg6 : memref<2048xi32, #tpu.memory_space<vmem>>)
        tpu.yield
      }) : () -> ()
      %dma_wait3A = arith.constant 0 : i32
      %dma_wait3A_36 = tpu.memref_slice %arg2[%dma_wait3A, %add3A_32] : memref<24x3276800xf32, #tpu.memory_space<hbm>> -> memref<24x2048xf32, #tpu.memory_space<hbm>>
      %dma_wait3A_37 = arith.constant 0 : i32
      %dma_wait3A_38 = tpu.memref_slice %arg2[%dma_wait3A_37, %add3A_32] : memref<24x3276800xf32, #tpu.memory_space<hbm>> -> memref<24x2048xf32, #tpu.memory_space<hbm>>
      tpu.wait_dma2 semaphore(%arg8 : memref<!tpu.dma_semaphore, #tpu.memory_space<semaphore_mem>>) src(%dma_wait3A_38 : memref<24x2048xf32, #tpu.memory_space<hbm>>) dst(%arg5 : memref<24x2048xf32, #tpu.memory_space<vmem>>)
      %scan3A_39 = arith.constant 0 : i32
      %scan3A_40 = arith.constant 128 : i32
      %scan3A_41 = arith.addi %scan3A_39, %scan3A_40 : i32
      %scan3A_42 = arith.constant 1 : i32
      %scan3A_43:3 = scf.for %scan3A_45 = %scan3A_39 to %scan3A_41 step %scan3A_42 iter_args(%scan3A_46 = %scan3A_27, %scan3A_47 = %scan3A_28, %scan3A_48 = %scan3A_29) -> (vector<16xf32>, vector<16xf32>, vector<16xf32>)  : i32 {
        %mul3A_49 = arith.constant 16 : i32
        %mul3A_50 = arith.muli %scan3A_45, %mul3A_49 : i32
        %get3A = arith.index_cast %mul3A_50 : i32 to index
        %get3A_51 = tpu.vector_load %arg6[%get3A] {strides = array<i32>} : memref<2048xi32, #tpu.memory_space<vmem>>, vector<16xi32>,
        %get3A_52 = vector.shape_cast %get3A_51 : vector<16xi32> to vector<16xi32>
        %get3A_53 = arith.constant 0 : i32
        %get3A_54 = arith.index_cast %get3A_53 : i32 to index
        %get3A_55 = arith.index_cast %mul3A_50 : i32 to index
        %get3A_56 = tpu.vector_load %arg5[%get3A_54, %get3A_55] {strides = array<i32>} : memref<24x2048xf32, #tpu.memory_space<vmem>>, vector<1x16xf32>,
        %get3A_57 = vector.shape_cast %get3A_56 : vector<1x16xf32> to vector<16xf32>
        %exp3A = math.exp %get3A_57 : vector<16xf32>
        %broadcast_in_dim3A_58 = arith.constant 0.000000e+00 : f32
        %broadcast_in_dim3A_59 = vector.broadcast %broadcast_in_dim3A_58 : f32 to vector<16xf32>
        %get3A_60 = arith.constant 1 : i32
        %get3A_61 = arith.index_cast %get3A_60 : i32 to index
        %get3A_62 = arith.index_cast %mul3A_50 : i32 to index
        %get3A_63 = tpu.vector_load %arg5[%get3A_61, %get3A_62] {strides = array<i32>} : memref<24x2048xf32, #tpu.memory_space<vmem>>, vector<1x16xf32>,
        %get3A_64 = vector.shape_cast %get3A_63 : vector<1x16xf32> to vector<16xf32>
        %exp3A_65 = math.exp %get3A_64 : vector<16xf32>
        %add3A_66 = arith.addf %exp3A, %exp3A_65 : vector<16xf32>
        %eq3A = arith.constant 1 : i32
        %eq3A_67 = vector.broadcast %eq3A : i32 to vector<16xi32>
        %eq3A_68 = arith.cmpi eq, %get3A_52, %eq3A_67 : vector<16xi32>
        %jit3A = arith.constant 0.000000e+00 : f32
        %broadcast_in_dim3A_69 = vector.broadcast %jit3A : f32 to vector<16xf32>
        %select_n3A = arith.select %eq3A_68, %exp3A_65, %broadcast_in_dim3A_69 : vector<16xi1>, vector<16xf32>
        %add3A_70 = arith.addf %broadcast_in_dim3A_59, %select_n3A : vector<16xf32>
        %get3A_71 = arith.constant 2 : i32
        %get3A_72 = arith.index_cast %get3A_71 : i32 to index
        %get3A_73 = arith.index_cast %mul3A_50 : i32 to index
        %get3A_74 = tpu.vector_load %arg5[%get3A_72, %get3A_73] {strides = array<i32>} : memref<24x2048xf32, #tpu.memory_space<vmem>>, vector<1x16xf32>,
        %get3A_75 = vector.shape_cast %get3A_74 : vector<1x16xf32> to vector<16xf32>
        %exp3A_76 = math.exp %get3A_75 : vector<16xf32>
        %add3A_77 = arith.addf %add3A_66, %exp3A_76 : vector<16xf32>
        %eq3A_78 = arith.constant 2 : i32
        %eq3A_79 = vector.broadcast %eq3A_78 : i32 to vector<16xi32>
        %eq3A_80 = arith.cmpi eq, %get3A_52, %eq3A_79 : vector<16xi32>
        %jit3A_81 = arith.constant 0.000000e+00 : f32
        %broadcast_in_dim3A_82 = vector.broadcast %jit3A_81 : f32 to vector<16xf32>
        %select_n3A_83 = arith.select %eq3A_80, %exp3A_76, %broadcast_in_dim3A_82 : vector<16xi1>, vector<16xf32>
        %add3A_84 = arith.addf %add3A_70, %select_n3A_83 : vector<16xf32>
        %get3A_85 = arith.constant 3 : i32
        %get3A_86 = arith.index_cast %get3A_85 : i32 to index
        %get3A_87 = arith.index_cast %mul3A_50 : i32 to index
        %get3A_88 = tpu.vector_load %arg5[%get3A_86, %get3A_87] {strides = array<i32>} : memref<24x2048xf32, #tpu.memory_space<vmem>>, vector<1x16xf32>,
        %get3A_89 = vector.shape_cast %get3A_88 : vector<1x16xf32> to vector<16xf32>
        %exp3A_90 = math.exp %get3A_89 : vector<16xf32>
        %add3A_91 = arith.addf %add3A_77, %exp3A_90 : vector<16xf32>
        %eq3A_92 = arith.constant 3 : i32
        %eq3A_93 = vector.broadcast %eq3A_92 : i32 to vector<16xi32>
        %eq3A_94 = arith.cmpi eq, %get3A_52, %eq3A_93 : vector<16xi32>
        %jit3A_95 = arith.constant 0.000000e+00 : f32
        %broadcast_in_dim3A_96 = vector.broadcast %jit3A_95 : f32 to vector<16xf32>
        %select_n3A_97 = arith.select %eq3A_94, %exp3A_90, %broadcast_in_dim3A_96 : vector<16xi1>, vector<16xf32>
        %add3A_98 = arith.addf %add3A_84, %select_n3A_97 : vector<16xf32>
        %get3A_99 = arith.constant 4 : i32
        %get3A_100 = arith.index_cast %get3A_99 : i32 to index
        %get3A_101 = arith.index_cast %mul3A_50 : i32 to index
        %get3A_102 = tpu.vector_load %arg5[%get3A_100, %get3A_101] {strides = array<i32>} : memref<24x2048xf32, #tpu.memory_space<vmem>>, vector<1x16xf32>,
        %get3A_103 = vector.shape_cast %get3A_102 : vector<1x16xf32> to vector<16xf32>
        %exp3A_104 = math.exp %get3A_103 : vector<16xf32>
        %add3A_105 = arith.addf %add3A_91, %exp3A_104 : vector<16xf32>
        %eq3A_106 = arith.constant 4 : i32
        %eq3A_107 = vector.broadcast %eq3A_106 : i32 to vector<16xi32>
        %eq3A_108 = arith.cmpi eq, %get3A_52, %eq3A_107 : vector<16xi32>
        %jit3A_109 = arith.constant 0.000000e+00 : f32
        %broadcast_in_dim3A_110 = vector.broadcast %jit3A_109 : f32 to vector<16xf32>
        %select_n3A_111 = arith.select %eq3A_108, %exp3A_104, %broadcast_in_dim3A_110 : vector<16xi1>, vector<16xf32>
        %add3A_112 = arith.addf %add3A_98, %select_n3A_111 : vector<16xf32>
        %get3A_113 = arith.constant 5 : i32
        %get3A_114 = arith.index_cast %get3A_113 : i32 to index
        %get3A_115 = arith.index_cast %mul3A_50 : i32 to index
        %get3A_116 = tpu.vector_load %arg5[%get3A_114, %get3A_115] {strides = array<i32>} : memref<24x2048xf32, #tpu.memory_space<vmem>>, vector<1x16xf32>,
        %get3A_117 = vector.shape_cast %get3A_116 : vector<1x16xf32> to vector<16xf32>
        %exp3A_118 = math.exp %get3A_117 : vector<16xf32>
        %add3A_119 = arith.addf %add3A_105, %exp3A_118 : vector<16xf32>
        %eq3A_120 = arith.constant 5 : i32
        %eq3A_121 = vector.broadcast %eq3A_120 : i32 to vector<16xi32>
        %eq3A_122 = arith.cmpi eq, %get3A_52, %eq3A_121 : vector<16xi32>
        %jit3A_123 = arith.constant 0.000000e+00 : f32
        %broadcast_in_dim3A_124 = vector.broadcast %jit3A_123 : f32 to vector<16xf32>
        %select_n3A_125 = arith.select %eq3A_122, %exp3A_118, %broadcast_in_dim3A_124 : vector<16xi1>, vector<16xf32>
        %add3A_126 = arith.addf %add3A_112, %select_n3A_125 : vector<16xf32>
        %get3A_127 = arith.constant 6 : i32
        %get3A_128 = arith.index_cast %get3A_127 : i32 to index
        %get3A_129 = arith.index_cast %mul3A_50 : i32 to index
        %get3A_130 = tpu.vector_load %arg5[%get3A_128, %get3A_129] {strides = array<i32>} : memref<24x2048xf32, #tpu.memory_space<vmem>>, vector<1x16xf32>,
        %get3A_131 = vector.shape_cast %get3A_130 : vector<1x16xf32> to vector<16xf32>
        %exp3A_132 = math.exp %get3A_131 : vector<16xf32>
        %add3A_133 = arith.addf %add3A_119, %exp3A_132 : vector<16xf32>
        %eq3A_134 = arith.constant 6 : i32
        %eq3A_135 = vector.broadcast %eq3A_134 : i32 to vector<16xi32>
        %eq3A_136 = arith.cmpi eq, %get3A_52, %eq3A_135 : vector<16xi32>
        %jit3A_137 = arith.constant 0.000000e+00 : f32
        %broadcast_in_dim3A_138 = vector.broadcast %jit3A_137 : f32 to vector<16xf32>
        %select_n3A_139 = arith.select %eq3A_136, %exp3A_132, %broadcast_in_dim3A_138 : vector<16xi1>, vector<16xf32>
        %add3A_140 = arith.addf %add3A_126, %select_n3A_139 : vector<16xf32>
        %get3A_141 = arith.constant 7 : i32
        %get3A_142 = arith.index_cast %get3A_141 : i32 to index
        %get3A_143 = arith.index_cast %mul3A_50 : i32 to index
        %get3A_144 = tpu.vector_load %arg5[%get3A_142, %get3A_143] {strides = array<i32>} : memref<24x2048xf32, #tpu.memory_space<vmem>>, vector<1x16xf32>,
        %get3A_145 = vector.shape_cast %get3A_144 : vector<1x16xf32> to vector<16xf32>
        %exp3A_146 = math.exp %get3A_145 : vector<16xf32>
        %add3A_147 = arith.addf %add3A_133, %exp3A_146 : vector<16xf32>
        %eq3A_148 = arith.constant 7 : i32
        %eq3A_149 = vector.broadcast %eq3A_148 : i32 to vector<16xi32>
        %eq3A_150 = arith.cmpi eq, %get3A_52, %eq3A_149 : vector<16xi32>
        %jit3A_151 = arith.constant 0.000000e+00 : f32
        %broadcast_in_dim3A_152 = vector.broadcast %jit3A_151 : f32 to vector<16xf32>
        %select_n3A_153 = arith.select %eq3A_150, %exp3A_146, %broadcast_in_dim3A_152 : vector<16xi1>, vector<16xf32>
        %add3A_154 = arith.addf %add3A_140, %select_n3A_153 : vector<16xf32>
        %get3A_155 = arith.constant 8 : i32
        %get3A_156 = arith.index_cast %get3A_155 : i32 to index
        %get3A_157 = arith.index_cast %mul3A_50 : i32 to index
        %get3A_158 = tpu.vector_load %arg5[%get3A_156, %get3A_157] {strides = array<i32>} : memref<24x2048xf32, #tpu.memory_space<vmem>>, vector<1x16xf32>,
        %get3A_159 = vector.shape_cast %get3A_158 : vector<1x16xf32> to vector<16xf32>
        %exp3A_160 = math.exp %get3A_159 : vector<16xf32>
        %add3A_161 = arith.addf %add3A_147, %exp3A_160 : vector<16xf32>
        %eq3A_162 = arith.constant 8 : i32
        %eq3A_163 = vector.broadcast %eq3A_162 : i32 to vector<16xi32>
        %eq3A_164 = arith.cmpi eq, %get3A_52, %eq3A_163 : vector<16xi32>
        %jit3A_165 = arith.constant 0.000000e+00 : f32
        %broadcast_in_dim3A_166 = vector.broadcast %jit3A_165 : f32 to vector<16xf32>
        %select_n3A_167 = arith.select %eq3A_164, %exp3A_160, %broadcast_in_dim3A_166 : vector<16xi1>, vector<16xf32>
        %add3A_168 = arith.addf %add3A_154, %select_n3A_167 : vector<16xf32>
        %get3A_169 = arith.constant 9 : i32
        %get3A_170 = arith.index_cast %get3A_169 : i32 to index
        %get3A_171 = arith.index_cast %mul3A_50 : i32 to index
        %get3A_172 = tpu.vector_load %arg5[%get3A_170, %get3A_171] {strides = array<i32>} : memref<24x2048xf32, #tpu.memory_space<vmem>>, vector<1x16xf32>,
        %get3A_173 = vector.shape_cast %get3A_172 : vector<1x16xf32> to vector<16xf32>
        %exp3A_174 = math.exp %get3A_173 : vector<16xf32>
        %add3A_175 = arith.addf %add3A_161, %exp3A_174 : vector<16xf32>
        %eq3A_176 = arith.constant 9 : i32
        %eq3A_177 = vector.broadcast %eq3A_176 : i32 to vector<16xi32>
        %eq3A_178 = arith.cmpi eq, %get3A_52, %eq3A_177 : vector<16xi32>
        %jit3A_179 = arith.constant 0.000000e+00 : f32
        %broadcast_in_dim3A_180 = vector.broadcast %jit3A_179 : f32 to vector<16xf32>
        %select_n3A_181 = arith.select %eq3A_178, %exp3A_174, %broadcast_in_dim3A_180 : vector<16xi1>, vector<16xf32>
        %add3A_182 = arith.addf %add3A_168, %select_n3A_181 : vector<16xf32>
        %get3A_183 = arith.constant 10 : i32
        %get3A_184 = arith.index_cast %get3A_183 : i32 to index
        %get3A_185 = arith.index_cast %mul3A_50 : i32 to index
        %get3A_186 = tpu.vector_load %arg5[%get3A_184, %get3A_185] {strides = array<i32>} : memref<24x2048xf32, #tpu.memory_space<vmem>>, vector<1x16xf32>,
        %get3A_187 = vector.shape_cast %get3A_186 : vector<1x16xf32> to vector<16xf32>
        %exp3A_188 = math.exp %get3A_187 : vector<16xf32>
        %add3A_189 = arith.addf %add3A_175, %exp3A_188 : vector<16xf32>
        %eq3A_190 = arith.constant 10 : i32
        %eq3A_191 = vector.broadcast %eq3A_190 : i32 to vector<16xi32>
        %eq3A_192 = arith.cmpi eq, %get3A_52, %eq3A_191 : vector<16xi32>
        %jit3A_193 = arith.constant 0.000000e+00 : f32
        %broadcast_in_dim3A_194 = vector.broadcast %jit3A_193 : f32 to vector<16xf32>
        %select_n3A_195 = arith.select %eq3A_192, %exp3A_188, %broadcast_in_dim3A_194 : vector<16xi1>, vector<16xf32>
        %add3A_196 = arith.addf %add3A_182, %select_n3A_195 : vector<16xf32>
        %get3A_197 = arith.constant 11 : i32
        %get3A_198 = arith.index_cast %get3A_197 : i32 to index
        %get3A_199 = arith.index_cast %mul3A_50 : i32 to index
        %get3A_200 = tpu.vector_load %arg5[%get3A_198, %get3A_199] {strides = array<i32>} : memref<24x2048xf32, #tpu.memory_space<vmem>>, vector<1x16xf32>,
        %get3A_201 = vector.shape_cast %get3A_200 : vector<1x16xf32> to vector<16xf32>
        %exp3A_202 = math.exp %get3A_201 : vector<16xf32>
        %add3A_203 = arith.addf %add3A_189, %exp3A_202 : vector<16xf32>
        %eq3A_204 = arith.constant 11 : i32
        %eq3A_205 = vector.broadcast %eq3A_204 : i32 to vector<16xi32>
        %eq3A_206 = arith.cmpi eq, %get3A_52, %eq3A_205 : vector<16xi32>
        %jit3A_207 = arith.constant 0.000000e+00 : f32
        %broadcast_in_dim3A_208 = vector.broadcast %jit3A_207 : f32 to vector<16xf32>
        %select_n3A_209 = arith.select %eq3A_206, %exp3A_202, %broadcast_in_dim3A_208 : vector<16xi1>, vector<16xf32>
        %add3A_210 = arith.addf %add3A_196, %select_n3A_209 : vector<16xf32>
        %get3A_211 = arith.constant 12 : i32
        %get3A_212 = arith.index_cast %get3A_211 : i32 to index
        %get3A_213 = arith.index_cast %mul3A_50 : i32 to index
        %get3A_214 = tpu.vector_load %arg5[%get3A_212, %get3A_213] {strides = array<i32>} : memref<24x2048xf32, #tpu.memory_space<vmem>>, vector<1x16xf32>,
        %get3A_215 = vector.shape_cast %get3A_214 : vector<1x16xf32> to vector<16xf32>
        %exp3A_216 = math.exp %get3A_215 : vector<16xf32>
        %add3A_217 = arith.addf %add3A_203, %exp3A_216 : vector<16xf32>
        %eq3A_218 = arith.constant 12 : i32
        %eq3A_219 = vector.broadcast %eq3A_218 : i32 to vector<16xi32>
        %eq3A_220 = arith.cmpi eq, %get3A_52, %eq3A_219 : vector<16xi32>
        %jit3A_221 = arith.constant 0.000000e+00 : f32
        %broadcast_in_dim3A_222 = vector.broadcast %jit3A_221 : f32 to vector<16xf32>
        %select_n3A_223 = arith.select %eq3A_220, %exp3A_216, %broadcast_in_dim3A_222 : vector<16xi1>, vector<16xf32>
        %add3A_224 = arith.addf %add3A_210, %select_n3A_223 : vector<16xf32>
        %get3A_225 = arith.constant 13 : i32
        %get3A_226 = arith.index_cast %get3A_225 : i32 to index
        %get3A_227 = arith.index_cast %mul3A_50 : i32 to index
        %get3A_228 = tpu.vector_load %arg5[%get3A_226, %get3A_227] {strides = array<i32>} : memref<24x2048xf32, #tpu.memory_space<vmem>>, vector<1x16xf32>,
        %get3A_229 = vector.shape_cast %get3A_228 : vector<1x16xf32> to vector<16xf32>
        %exp3A_230 = math.exp %get3A_229 : vector<16xf32>
        %add3A_231 = arith.addf %add3A_217, %exp3A_230 : vector<16xf32>
        %eq3A_232 = arith.constant 13 : i32
        %eq3A_233 = vector.broadcast %eq3A_232 : i32 to vector<16xi32>
        %eq3A_234 = arith.cmpi eq, %get3A_52, %eq3A_233 : vector<16xi32>
        %jit3A_235 = arith.constant 0.000000e+00 : f32
        %broadcast_in_dim3A_236 = vector.broadcast %jit3A_235 : f32 to vector<16xf32>
        %select_n3A_237 = arith.select %eq3A_234, %exp3A_230, %broadcast_in_dim3A_236 : vector<16xi1>, vector<16xf32>
        %add3A_238 = arith.addf %add3A_224, %select_n3A_237 : vector<16xf32>
        %get3A_239 = arith.constant 14 : i32
        %get3A_240 = arith.index_cast %get3A_239 : i32 to index
        %get3A_241 = arith.index_cast %mul3A_50 : i32 to index
        %get3A_242 = tpu.vector_load %arg5[%get3A_240, %get3A_241] {strides = array<i32>} : memref<24x2048xf32, #tpu.memory_space<vmem>>, vector<1x16xf32>,
        %get3A_243 = vector.shape_cast %get3A_242 : vector<1x16xf32> to vector<16xf32>
        %exp3A_244 = math.exp %get3A_243 : vector<16xf32>
        %add3A_245 = arith.addf %add3A_231, %exp3A_244 : vector<16xf32>
        %eq3A_246 = arith.constant 14 : i32
        %eq3A_247 = vector.broadcast %eq3A_246 : i32 to vector<16xi32>
        %eq3A_248 = arith.cmpi eq, %get3A_52, %eq3A_247 : vector<16xi32>
        %jit3A_249 = arith.constant 0.000000e+00 : f32
        %broadcast_in_dim3A_250 = vector.broadcast %jit3A_249 : f32 to vector<16xf32>
        %select_n3A_251 = arith.select %eq3A_248, %exp3A_244, %broadcast_in_dim3A_250 : vector<16xi1>, vector<16xf32>
        %add3A_252 = arith.addf %add3A_238, %select_n3A_251 : vector<16xf32>
        %get3A_253 = arith.constant 15 : i32
        %get3A_254 = arith.index_cast %get3A_253 : i32 to index
        %get3A_255 = arith.index_cast %mul3A_50 : i32 to index
        %get3A_256 = tpu.vector_load %arg5[%get3A_254, %get3A_255] {strides = array<i32>} : memref<24x2048xf32, #tpu.memory_space<vmem>>, vector<1x16xf32>,
        %get3A_257 = vector.shape_cast %get3A_256 : vector<1x16xf32> to vector<16xf32>
        %exp3A_258 = math.exp %get3A_257 : vector<16xf32>
        %add3A_259 = arith.addf %add3A_245, %exp3A_258 : vector<16xf32>
        %eq3A_260 = arith.constant 15 : i32
        %eq3A_261 = vector.broadcast %eq3A_260 : i32 to vector<16xi32>
        %eq3A_262 = arith.cmpi eq, %get3A_52, %eq3A_261 : vector<16xi32>
        %jit3A_263 = arith.constant 0.000000e+00 : f32
        %broadcast_in_dim3A_264 = vector.broadcast %jit3A_263 : f32 to vector<16xf32>
        %select_n3A_265 = arith.select %eq3A_262, %exp3A_258, %broadcast_in_dim3A_264 : vector<16xi1>, vector<16xf32>
        %add3A_266 = arith.addf %add3A_252, %select_n3A_265 : vector<16xf32>
        %get3A_267 = arith.constant 16 : i32
        %get3A_268 = arith.index_cast %get3A_267 : i32 to index
        %get3A_269 = arith.index_cast %mul3A_50 : i32 to index
        %get3A_270 = tpu.vector_load %arg5[%get3A_268, %get3A_269] {strides = array<i32>} : memref<24x2048xf32, #tpu.memory_space<vmem>>, vector<1x16xf32>,
        %get3A_271 = vector.shape_cast %get3A_270 : vector<1x16xf32> to vector<16xf32>
        %exp3A_272 = math.exp %get3A_271 : vector<16xf32>
        %add3A_273 = arith.addf %add3A_259, %exp3A_272 : vector<16xf32>
        %eq3A_274 = arith.constant 16 : i32
        %eq3A_275 = vector.broadcast %eq3A_274 : i32 to vector<16xi32>
        %eq3A_276 = arith.cmpi eq, %get3A_52, %eq3A_275 : vector<16xi32>
        %jit3A_277 = arith.constant 0.000000e+00 : f32
        %broadcast_in_dim3A_278 = vector.broadcast %jit3A_277 : f32 to vector<16xf32>
        %select_n3A_279 = arith.select %eq3A_276, %exp3A_272, %broadcast_in_dim3A_278 : vector<16xi1>, vector<16xf32>
        %add3A_280 = arith.addf %add3A_266, %select_n3A_279 : vector<16xf32>
        %get3A_281 = arith.constant 17 : i32
        %get3A_282 = arith.index_cast %get3A_281 : i32 to index
        %get3A_283 = arith.index_cast %mul3A_50 : i32 to index
        %get3A_284 = tpu.vector_load %arg5[%get3A_282, %get3A_283] {strides = array<i32>} : memref<24x2048xf32, #tpu.memory_space<vmem>>, vector<1x16xf32>,
        %get3A_285 = vector.shape_cast %get3A_284 : vector<1x16xf32> to vector<16xf32>
        %exp3A_286 = math.exp %get3A_285 : vector<16xf32>
        %add3A_287 = arith.addf %add3A_273, %exp3A_286 : vector<16xf32>
        %eq3A_288 = arith.constant 17 : i32
        %eq3A_289 = vector.broadcast %eq3A_288 : i32 to vector<16xi32>
        %eq3A_290 = arith.cmpi eq, %get3A_52, %eq3A_289 : vector<16xi32>
        %jit3A_291 = arith.constant 0.000000e+00 : f32
        %broadcast_in_dim3A_292 = vector.broadcast %jit3A_291 : f32 to vector<16xf32>
        %select_n3A_293 = arith.select %eq3A_290, %exp3A_286, %broadcast_in_dim3A_292 : vector<16xi1>, vector<16xf32>
        %add3A_294 = arith.addf %add3A_280, %select_n3A_293 : vector<16xf32>
        %get3A_295 = arith.constant 18 : i32
        %get3A_296 = arith.index_cast %get3A_295 : i32 to index
        %get3A_297 = arith.index_cast %mul3A_50 : i32 to index
        %get3A_298 = tpu.vector_load %arg5[%get3A_296, %get3A_297] {strides = array<i32>} : memref<24x2048xf32, #tpu.memory_space<vmem>>, vector<1x16xf32>,
        %get3A_299 = vector.shape_cast %get3A_298 : vector<1x16xf32> to vector<16xf32>
        %exp3A_300 = math.exp %get3A_299 : vector<16xf32>
        %add3A_301 = arith.addf %add3A_287, %exp3A_300 : vector<16xf32>
        %eq3A_302 = arith.constant 18 : i32
        %eq3A_303 = vector.broadcast %eq3A_302 : i32 to vector<16xi32>
        %eq3A_304 = arith.cmpi eq, %get3A_52, %eq3A_303 : vector<16xi32>
        %jit3A_305 = arith.constant 0.000000e+00 : f32
        %broadcast_in_dim3A_306 = vector.broadcast %jit3A_305 : f32 to vector<16xf32>
        %select_n3A_307 = arith.select %eq3A_304, %exp3A_300, %broadcast_in_dim3A_306 : vector<16xi1>, vector<16xf32>
        %add3A_308 = arith.addf %add3A_294, %select_n3A_307 : vector<16xf32>
        %get3A_309 = arith.constant 19 : i32
        %get3A_310 = arith.index_cast %get3A_309 : i32 to index
        %get3A_311 = arith.index_cast %mul3A_50 : i32 to index
        %get3A_312 = tpu.vector_load %arg5[%get3A_310, %get3A_311] {strides = array<i32>} : memref<24x2048xf32, #tpu.memory_space<vmem>>, vector<1x16xf32>,
        %get3A_313 = vector.shape_cast %get3A_312 : vector<1x16xf32> to vector<16xf32>
        %exp3A_314 = math.exp %get3A_313 : vector<16xf32>
        %add3A_315 = arith.addf %add3A_301, %exp3A_314 : vector<16xf32>
        %eq3A_316 = arith.constant 19 : i32
        %eq3A_317 = vector.broadcast %eq3A_316 : i32 to vector<16xi32>
        %eq3A_318 = arith.cmpi eq, %get3A_52, %eq3A_317 : vector<16xi32>
        %jit3A_319 = arith.constant 0.000000e+00 : f32
        %broadcast_in_dim3A_320 = vector.broadcast %jit3A_319 : f32 to vector<16xf32>
        %select_n3A_321 = arith.select %eq3A_318, %exp3A_314, %broadcast_in_dim3A_320 : vector<16xi1>, vector<16xf32>
        %add3A_322 = arith.addf %add3A_308, %select_n3A_321 : vector<16xf32>
        %get3A_323 = arith.constant 20 : i32
        %get3A_324 = arith.index_cast %get3A_323 : i32 to index
        %get3A_325 = arith.index_cast %mul3A_50 : i32 to index
        %get3A_326 = tpu.vector_load %arg5[%get3A_324, %get3A_325] {strides = array<i32>} : memref<24x2048xf32, #tpu.memory_space<vmem>>, vector<1x16xf32>,
        %get3A_327 = vector.shape_cast %get3A_326 : vector<1x16xf32> to vector<16xf32>
        %exp3A_328 = math.exp %get3A_327 : vector<16xf32>
        %add3A_329 = arith.addf %add3A_315, %exp3A_328 : vector<16xf32>
        %eq3A_330 = arith.constant 20 : i32
        %eq3A_331 = vector.broadcast %eq3A_330 : i32 to vector<16xi32>
        %eq3A_332 = arith.cmpi eq, %get3A_52, %eq3A_331 : vector<16xi32>
        %jit3A_333 = arith.constant 0.000000e+00 : f32
        %broadcast_in_dim3A_334 = vector.broadcast %jit3A_333 : f32 to vector<16xf32>
        %select_n3A_335 = arith.select %eq3A_332, %exp3A_328, %broadcast_in_dim3A_334 : vector<16xi1>, vector<16xf32>
        %add3A_336 = arith.addf %add3A_322, %select_n3A_335 : vector<16xf32>
        %get3A_337 = arith.constant 21 : i32
        %get3A_338 = arith.index_cast %get3A_337 : i32 to index
        %get3A_339 = arith.index_cast %mul3A_50 : i32 to index
        %get3A_340 = tpu.vector_load %arg5[%get3A_338, %get3A_339] {strides = array<i32>} : memref<24x2048xf32, #tpu.memory_space<vmem>>, vector<1x16xf32>,
        %get3A_341 = vector.shape_cast %get3A_340 : vector<1x16xf32> to vector<16xf32>
        %exp3A_342 = math.exp %get3A_341 : vector<16xf32>
        %add3A_343 = arith.addf %add3A_329, %exp3A_342 : vector<16xf32>
        %eq3A_344 = arith.constant 21 : i32
        %eq3A_345 = vector.broadcast %eq3A_344 : i32 to vector<16xi32>
        %eq3A_346 = arith.cmpi eq, %get3A_52, %eq3A_345 : vector<16xi32>
        %jit3A_347 = arith.constant 0.000000e+00 : f32
        %broadcast_in_dim3A_348 = vector.broadcast %jit3A_347 : f32 to vector<16xf32>
        %select_n3A_349 = arith.select %eq3A_346, %exp3A_342, %broadcast_in_dim3A_348 : vector<16xi1>, vector<16xf32>
        %add3A_350 = arith.addf %add3A_336, %select_n3A_349 : vector<16xf32>
        %get3A_351 = arith.constant 22 : i32
        %get3A_352 = arith.index_cast %get3A_351 : i32 to index
        %get3A_353 = arith.index_cast %mul3A_50 : i32 to index
        %get3A_354 = tpu.vector_load %arg5[%get3A_352, %get3A_353] {strides = array<i32>} : memref<24x2048xf32, #tpu.memory_space<vmem>>, vector<1x16xf32>,
        %get3A_355 = vector.shape_cast %get3A_354 : vector<1x16xf32> to vector<16xf32>
        %exp3A_356 = math.exp %get3A_355 : vector<16xf32>
        %add3A_357 = arith.addf %add3A_343, %exp3A_356 : vector<16xf32>
        %eq3A_358 = arith.constant 22 : i32
        %eq3A_359 = vector.broadcast %eq3A_358 : i32 to vector<16xi32>
        %eq3A_360 = arith.cmpi eq, %get3A_52, %eq3A_359 : vector<16xi32>
        %jit3A_361 = arith.constant 0.000000e+00 : f32
        %broadcast_in_dim3A_362 = vector.broadcast %jit3A_361 : f32 to vector<16xf32>
        %select_n3A_363 = arith.select %eq3A_360, %exp3A_356, %broadcast_in_dim3A_362 : vector<16xi1>, vector<16xf32>
        %add3A_364 = arith.addf %add3A_350, %select_n3A_363 : vector<16xf32>
        %get3A_365 = arith.constant 23 : i32
        %get3A_366 = arith.index_cast %get3A_365 : i32 to index
        %get3A_367 = arith.index_cast %mul3A_50 : i32 to index
        %get3A_368 = tpu.vector_load %arg5[%get3A_366, %get3A_367] {strides = array<i32>} : memref<24x2048xf32, #tpu.memory_space<vmem>>, vector<1x16xf32>,
        %get3A_369 = vector.shape_cast %get3A_368 : vector<1x16xf32> to vector<16xf32>
        %exp3A_370 = math.exp %get3A_369 : vector<16xf32>
        %add3A_371 = arith.addf %add3A_357, %exp3A_370 : vector<16xf32>
        %eq3A_372 = arith.constant 23 : i32
        %eq3A_373 = vector.broadcast %eq3A_372 : i32 to vector<16xi32>
        %eq3A_374 = arith.cmpi eq, %get3A_52, %eq3A_373 : vector<16xi32>
        %jit3A_375 = arith.constant 0.000000e+00 : f32
        %broadcast_in_dim3A_376 = vector.broadcast %jit3A_375 : f32 to vector<16xf32>
        %select_n3A_377 = arith.select %eq3A_374, %exp3A_370, %broadcast_in_dim3A_376 : vector<16xi1>, vector<16xf32>
        %add3A_378 = arith.addf %add3A_364, %select_n3A_377 : vector<16xf32>
        %div3A = arith.constant 1.000000e+00 : f32
        %div3A_379 = vector.broadcast %div3A : f32 to vector<16xf32>
        %div3A_380 = arith.divf %div3A_379, %add3A_371 : vector<16xf32>
        %mul3A_381 = arith.mulf %add3A_378, %div3A_380 : vector<16xf32>
        %add3A_382 = arith.addf %scan3A_46, %mul3A_381 : vector<16xf32>
        %mul3A_383 = arith.mulf %exp3A, %div3A_380 : vector<16xf32>
        %add3A_384 = arith.addf %scan3A_47, %mul3A_383 : vector<16xf32>
        %gt3A = arith.constant 0 : i32
        %gt3A_385 = vector.broadcast %gt3A : i32 to vector<16xi32>
        %gt3A_386 = arith.cmpi sgt, %get3A_52, %gt3A_385 : vector<16xi32>
        %jit3A_387 = arith.constant 1.000000e+00 : f32
        %jit3A_388 = arith.constant 0.000000e+00 : f32
        %broadcast_in_dim3A_389 = vector.broadcast %jit3A_387 : f32 to vector<16xf32>
        %broadcast_in_dim3A_390 = vector.broadcast %jit3A_388 : f32 to vector<16xf32>
        %select_n3A_391 = arith.select %gt3A_386, %broadcast_in_dim3A_389, %broadcast_in_dim3A_390 : vector<16xi1>, vector<16xf32>
        %add3A_392 = arith.addf %scan3A_48, %select_n3A_391 : vector<16xf32>
        scf.yield %add3A_382, %add3A_384, %add3A_392 : vector<16xf32>, vector<16xf32>, vector<16xf32>
      }
      %scan3A_44 = arith.constant 128 : i32
      scf.yield %scan3A_43#0, %scan3A_43#1, %scan3A_43#2 : vector<16xf32>, vector<16xf32>, vector<16xf32>
    }
    %scan3A_8 = arith.constant 50 : i32
    %swap3A = arith.constant 0 : i32
    %swap3A_9 = arith.index_cast %swap3A : i32 to index
    %swap3A_10 = arith.constant 0 : index
    %swap3A_11 = tpu.vector_load %arg7[%swap3A_9, %swap3A_10] {strides = array<i32>} : memref<3x16xf32, #tpu.memory_space<vmem>>, vector<1x16xf32>,
    %swap3A_12 = vector.shape_cast %swap3A_11 : vector<1x16xf32> to vector<16xf32>
    %swap3A_13 = vector.shape_cast %scan3A_7#0 : vector<16xf32> to vector<1x16xf32>
    tpu.vector_store %arg7[%swap3A_9, %swap3A_10], %swap3A_13 {strides = array<i32>} : memref<3x16xf32, #tpu.memory_space<vmem>>, vector<1x16xf32>,
    %swap3A_14 = arith.constant 1 : i32
    %swap3A_15 = arith.index_cast %swap3A_14 : i32 to index
    %swap3A_16 = arith.constant 0 : index
    %swap3A_17 = tpu.vector_load %arg7[%swap3A_15, %swap3A_16] {strides = array<i32>} : memref<3x16xf32, #tpu.memory_space<vmem>>, vector<1x16xf32>,
    %swap3A_18 = vector.shape_cast %swap3A_17 : vector<1x16xf32> to vector<16xf32>
    %swap3A_19 = vector.shape_cast %scan3A_7#1 : vector<16xf32> to vector<1x16xf32>
    tpu.vector_store %arg7[%swap3A_15, %swap3A_16], %swap3A_19 {strides = array<i32>} : memref<3x16xf32, #tpu.memory_space<vmem>>, vector<1x16xf32>,
    %swap3A_20 = arith.constant 2 : i32
    %swap3A_21 = arith.index_cast %swap3A_20 : i32 to index
    %swap3A_22 = arith.constant 0 : index
    %swap3A_23 = tpu.vector_load %arg7[%swap3A_21, %swap3A_22] {strides = array<i32>} : memref<3x16xf32, #tpu.memory_space<vmem>>, vector<1x16xf32>,
    %swap3A_24 = vector.shape_cast %swap3A_23 : vector<1x16xf32> to vector<16xf32>
    %swap3A_25 = vector.shape_cast %scan3A_7#2 : vector<16xf32> to vector<1x16xf32>
    tpu.vector_store %arg7[%swap3A_21, %swap3A_22], %swap3A_25 {strides = array<i32>} : memref<3x16xf32, #tpu.memory_space<vmem>>, vector<1x16xf32>,
    "tpu.region"() ({
      %run_scoped3A = tpu.sem_alloc : memref<!tpu.dma_semaphore, #tpu.memory_space<semaphore_mem>>
      %dma_start3A = arith.constant 0 : i32
      %dma_start3A_26 = arith.constant 0 : i32
      %dma_start3A_27 = tpu.memref_slice %arg4[%add3A, %dma_start3A, %dma_start3A_26] : memref<32x3x16xf32, #tpu.memory_space<hbm>> -> memref<1x3x16xf32, #tpu.memory_space<hbm>>
      %dma_start3A_28 = tpu.memref_squeeze %dma_start3A_27 : memref<1x3x16xf32, #tpu.memory_space<hbm>> -> memref<3x16xf32, #tpu.memory_space<hbm>>
      %dma_start3A_29 = arith.constant 0 : i32
      %dma_start3A_30 = arith.constant 0 : i32
      %dma_start3A_31 = tpu.memref_slice %arg4[%add3A, %dma_start3A_29, %dma_start3A_30] : memref<32x3x16xf32, #tpu.memory_space<hbm>> -> memref<1x3x16xf32, #tpu.memory_space<hbm>>
      %dma_start3A_32 = tpu.memref_squeeze %dma_start3A_31 : memref<1x3x16xf32, #tpu.memory_space<hbm>> -> memref<3x16xf32, #tpu.memory_space<hbm>>
      tpu.enqueue_dma source(%arg7 : memref<3x16xf32, #tpu.memory_space<vmem>>) target(%dma_start3A_32 : memref<3x16xf32, #tpu.memory_space<hbm>>) target_semaphore(%run_scoped3A : memref<!tpu.dma_semaphore, #tpu.memory_space<semaphore_mem>>)
      %dma_wait3A = arith.constant 0 : i32
      %dma_wait3A_33 = arith.constant 0 : i32
      %dma_wait3A_34 = tpu.memref_slice %arg4[%add3A, %dma_wait3A, %dma_wait3A_33] : memref<32x3x16xf32, #tpu.memory_space<hbm>> -> memref<1x3x16xf32, #tpu.memory_space<hbm>>
      %dma_wait3A_35 = tpu.memref_squeeze %dma_wait3A_34 : memref<1x3x16xf32, #tpu.memory_space<hbm>> -> memref<3x16xf32, #tpu.memory_space<hbm>>
      %dma_wait3A_36 = arith.constant 0 : i32
      %dma_wait3A_37 = arith.constant 0 : i32
      %dma_wait3A_38 = tpu.memref_slice %arg4[%add3A, %dma_wait3A_36, %dma_wait3A_37] : memref<32x3x16xf32, #tpu.memory_space<hbm>> -> memref<1x3x16xf32, #tpu.memory_space<hbm>>
      %dma_wait3A_39 = tpu.memref_squeeze %dma_wait3A_38 : memref<1x3x16xf32, #tpu.memory_space<hbm>> -> memref<3x16xf32, #tpu.memory_space<hbm>>
      tpu.wait_dma2 semaphore(%run_scoped3A : memref<!tpu.dma_semaphore, #tpu.memory_space<semaphore_mem>>) src(%arg7 : memref<3x16xf32, #tpu.memory_space<vmem>>) dst(%dma_wait3A_39 : memref<3x16xf32, #tpu.memory_space<hbm>>)
      tpu.yield
    }) : () -> ()
    return
  }
}

</mosaic_0001>

<sc_bundles>
// kernel: kernel.3.cloned.1.call-start
scs
__scs_entry_jumppad:
0x0: {  	(pc) =	sbr.rel $0x88, $3  }
0x1: {  	(tag) =	ssettag $0x0;
	lr =	simm.s32 $0x1  }
0x2: {  	[smem:$0x3F9F] =	sst lr;
	_ =	strace $0xD0000000  }
0x3: {  	_ = 	snop  }
0x4: {  	_ = 	snop  }
0x5: {  	_ = 	snop  }
0x6: {  	_ = 	snop  }
0x7: {  	_ = 	snop  }
__scs_overlays_trampoline_lowered:
0x8: {  	[smem:$0x3FAE] =	sst s0  }
0x9: {  	[smem:$0x3FAF] =	sst s1  }
0xa: {  	[smem:$0x3FB0] =	sst s2  }
0xb: {  	[smem:$0x3FB1] =	sst s3  }
0xc: {  	[smem:$0x3FB2] =	sst s4  }
0xd: {  	[smem:$0x3FB3] =	sst s5  }
0xe: {  	[smem:$0x3FB4] =	sst s6  }
0xf: {  	[smem:$0x3FB5] =	sst s7  }
0x10: {  	[smem:$0x3FB6] =	sst s8  }
0x11: {  	[smem:$0x3FB7] =	sst s9;
	s0 =	simm.s32 @!p0 $0x0  }
0x12: {  	s1 =	sld [smem:$0x3F9D];
	s0 =	simm.s32 @p0 $0x1  }
0x13: {  	[smem:$0x3FB8] =	sst s0;
	s0 =	simm.s32 @!p1 $0x0  }
0x14: {  	s2 =	sld [smem:$0x3F9C];
	s0 =	simm.s32 @p1 $0x1  }
0x15: {  	[smem:$0x3FB9] =	sst s0;
	s0 =	simm.s32 @!p2 $0x0  }
0x16: {  	s3 =	sld [smem:$0x3FDB];
	s0 =	simm.s32 @p2 $0x1  }
0x17: {  	s4 =	simm.s32 $0x1BF5;
	[smem:$0x3FBB] =	sst s0  }
0x18: {  	s0 =	sld [smem:$0x3F9E];
	_ =	swait.ge [sflag:s4], $0x0  }
0x19: {  	s7 =	sld [smem:$0x3F9F]  }
0x1a: {  	s8 =	sadd.s32 $0xFFFFE003, lr  }
0x1b: {  	s9 =	sadd.s32 $0xFFFFFEF7, lr;
	s5 =	simm.s32 $0xFFFFFFFF;
	p2 =	slt.u32 s8, $0xFFFFF086  }
0x1c: {  	p1 =	slt.u32 s9, $0xF7A;
	s5 =	simm.s32 @!p2 $0x0  }
0x1d: {  	s5 =	simm.s32 @p1 $0x1;
	p0 =	seq.s32 s7, s2  }
0x1e: {  	s7 =	smul.u32 @!p0 $0xF7A, s2;
	p2 =	seq.s32 @!p0 s5, $0x0  }
0x1f: {  	s9 =	smul.u32 $0xF7A, s1;
	s8 =	simm.s32 @!p0 $0x1BF5;
	p2 =	por !p2, p0  }
0x20: {  	[sflag:s8] =	ssyncset.s32 @!p0 $0xFFFFF086;
	s6 =	sadd.s32 @!p0 s3, s7;
	s7 =	simm.s32 @!p0 $0x108  }
0x21: {  	s3 =	sadd.s32 s3, s9;
	s6 =	sadd.s32 @!p0 $0x88, s6;
	s7 =	simm.s32 @p2 $0x1082  }
0x22: {  	[simem:s7], [sflag:s8] =	dma.local @!p0 [hbm:s6], $0xF7A  }
0x23: {  	s9 =	sor.u32 $0xD0000000, s2;
	s6 =	simm.s32 $0x108;
	_ =	swait.ge @!p0 [sflag:s8], $0x0  }
0x24: {  	s3 =	sadd.s32 $0x88, s3;
	s6 =	simm.s32 @!p1 $0x1082;
	[sflag:s4] =	ssyncset.s32 $0xFFFFF086  }
0x25: {  	[simem:s6], [sflag:s4] =	dma.local [hbm:s3], $0xF7A  }
0x26: {  	[smem:$0x3F9F] =	sst s1;
	(tag) =	ssettag s2;
	_ =	strace s9  }
0x27: {  	s1 =	sld [smem:$0x3FAF]  }
0x28: {  	s2 =	sld [smem:$0x3FB0]  }
0x29: {  	s4 =	sld [smem:$0x3FB2]  }
0x2a: {  	p0 =	seq.s32 s5, $0x0;
	s5 =	sld [smem:$0x3FB3]  }
0x2b: {  	s6 =	sld [smem:$0x3FB4]  }
0x2c: {  	s7 =	sld [smem:$0x3FB5]  }
0x2d: {  	s3 =	simm.s32 $0x108;
	s8 =	sld [smem:$0x3FB6]  }
0x2e: {  	s3 =	simm.s32 @!p0 $0x1082;
	s9 =	sld [smem:$0x3FB7]  }
0x2f: {  	lr =	sadd.s32 s0, s3;
	s0 =	sld [smem:$0x3FAE]  }
0x30: {  	s3 =	sld [smem:$0x3FB1]  }
0x31: {  	[smem:$0x3FBA] =	sst s10  }
0x32: {  	s10 =	sld [smem:$0x3FB8];
	_ =	sdelay $0x3  }
0x33: {  	p0 =	seq.s32 s10, $0x1;
	s10 =	sld [smem:$0x3FBA];
	_ =	sdelay $0x3  }
0x34: {  	[smem:$0x3FBA] =	sst s10  }
0x35: {  	s10 =	sld [smem:$0x3FB9];
	_ =	sdelay $0x3  }
0x36: {  	p1 =	seq.s32 s10, $0x1;
	s10 =	sld [smem:$0x3FBA];
	_ =	sdelay $0x3  }
0x37: {  	[smem:$0x3FBA] =	sst s10  }
0x38: {  	s10 =	sld [smem:$0x3FBB]  }
0x39: {  	_ = 	snop;
	(pc) =	sbr.ind lr, $3  }
0x3a: {  	_ = 	snop  }
0x3b: {  	_ = 	snop  }
0x3c: {  	p2 =	seq.s32 s10, $0x1;
	s10 =	sld [smem:$0x3FBA]  }
0x3d: {  	_ =	shalt  }
0x3e: {  	_ =	shalt  }
0x3f: {  	_ =	shalt  }
0x40: {  	_ =	shalt  }
0x41: {  	_ =	shalt  }
0x42: {  	_ =	shalt  }
0x43: {  	_ =	shalt  }
0x44: {  	_ =	shalt  }
0x45: {  	_ =	shalt  }
0x46: {  	_ =	shalt  }
0x47: {  	_ =	shalt  }
0x48: {  	_ =	shalt  }
0x49: {  	_ =	shalt  }
0x4a: {  	_ =	shalt  }
0x4b: {  	_ =	shalt  }
0x4c: {  	_ =	shalt  }
0x4d: {  	_ =	shalt  }
0x4e: {  	_ =	shalt  }
0x4f: {  	_ =	shalt  }
0x50: {  	_ =	shalt  }
0x51: {  	_ =	shalt  }
0x52: {  	_ =	shalt  }
0x53: {  	_ =	shalt  }
0x54: {  	_ =	shalt  }
0x55: {  	_ =	shalt  }
0x56: {  	_ =	shalt  }
0x57: {  	_ =	shalt  }
0x58: {  	_ =	shalt  }
0x59: {  	_ =	shalt  }
0x5a: {  	_ =	shalt  }
0x5b: {  	_ =	shalt  }
0x5c: {  	_ =	shalt  }
0x5d: {  	_ =	shalt  }
0x5e: {  	_ =	shalt  }
0x5f: {  	_ =	shalt  }
0x60: {  	_ =	shalt  }
0x61: {  	_ =	shalt  }
0x62: {  	_ =	shalt  }
0x63: {  	_ =	shalt  }
0x64: {  	_ =	shalt  }
0x65: {  	_ =	shalt  }
0x66: {  	_ =	shalt  }
0x67: {  	_ =	shalt  }
0x68: {  	_ =	shalt  }
0x69: {  	_ =	shalt  }
0x6a: {  	_ =	shalt  }
0x6b: {  	_ =	shalt  }
0x6c: {  	_ =	shalt  }
0x6d: {  	_ =	shalt  }
0x6e: {  	_ =	shalt  }
0x6f: {  	_ =	shalt  }
0x70: {  	_ =	shalt  }
0x71: {  	_ =	shalt  }
0x72: {  	_ =	shalt  }
0x73: {  	_ =	shalt  }
0x74: {  	_ =	shalt  }
0x75: {  	_ =	shalt  }
0x76: {  	_ =	shalt  }
0x77: {  	_ =	shalt  }
0x78: {  	_ =	shalt  }
0x79: {  	_ =	shalt  }
0x7a: {  	_ =	shalt  }
0x7b: {  	_ =	shalt  }
0x7c: {  	_ =	shalt  }
0x7d: {  	_ =	shalt  }
0x7e: {  	_ =	shalt  }
0x7f: {  	_ =	shalt  }
0x80: {  	_ =	shalt  }
0x81: {  	_ =	shalt  }
0x82: {  	_ =	shalt  }
0x83: {  	_ =	shalt  }
0x84: {  	_ =	shalt  }
0x85: {  	_ =	shalt  }
0x86: {  	_ =	shalt  }
0x87: {  	_ =	shalt  }
.Lfunc_end0:
.L_simem_size_0:
called_computation_lowered:
.L_overlay_start_0:
0x88: {  	s2 =	sld [smem:$0x3FD9]  }
0x89: {  	s3 =	sld [smem:$0x3FFE];
	_ =	sdelay $0x1  }
0x8a: {  	s1 =	srdreg.scid  }
0x8b: {  	s0 =	sand.u32 $0x1, s1  }
0x8c: {  	s16 =	sshll.u32 s0, $0xA;
	s2 =	sadd.s32 s3, s2  }
0x8d: {  	s2 =	sadd.s32 s2, s16  }
0x8e: {  	[smem:$0x3FC6] =	sst s2  }
0x8f: {  	_ = 	snop  }
0x90: {  	(tm) =	ssettm $0x1  }
0x91: {  	s17 =	sld [smem:$0x3FFB];
	_ =	sdelay $0x3  }
0x92: {  	_ =	strace s17  }
0x93: {  	s2 =	sld [smem:$0x3FFC];
	_ =	sdelay $0x3  }
0x94: {  	_ =	strace s2  }
0x95: {  	s2 =	sld [smem:$0x3FFD];
	_ =	sdelay $0x3  }
0x96: {  	_ =	strace s2  }
0x97: {  	_ =	strace $0x8FFFFFFF  }
0x98: {  	s18 =	sld [smem:$0x3FDB];
	_ =	sdelay $0x1  }
0x99: {  	s19 =	simm.s32 $_scs_section_size  }
0x9a: {  	s4 =	simm.s32 $_size__tile_overlayer_lowered;
	s5 =	simm.s32 $_tile_overlayer_lowered  }
0x9b: {  	s22 =	simm.s32 $0x1BFF;
	s21 =	sshll.u32 s5, $0x1;
	s2 =	sadd.s32 s19, s18  }
0x9c: {  	s6 =	simm.s32 $0x0;
	s20 =	sshll.u32 s4, $0x1;
	s4 =	sadd.s32 s21, s2  }
0x9d: {  	[timem:s6], [sflag:s22] =	dma.local [hbm:s4], s20  }
0x9e: {  	_ =	swait.ge [sflag:s22], s20  }
0x9f: {  	s3 =	ssub.s32 $0x0, s20;
	[sflag:s22] =	ssyncset.done $0x0  }
0xa0: {  	[sflag:s22] =	ssyncadd.s32 s3;
	_ =	sdelay $0x1  }
0xa1: {  	s23 =	simm.s32 $0x1B8B  }
0xa2: {  	_ =	swait.ge [sflag:s23], $0x1  }
0xa3: {  	[sflag:s23] =	ssyncset.done $0x0  }
0xa4: {  	s25 =	simm.s32 $0x1B8E;
	s24 =	sld [smem:$0x3FFE];
	[sflag:s23] =	ssyncadd.s32 $0xFFFFFFFF  }
0xa5: {  	s26 =	simm.s32 $execute0_lowered;
	[smem:$0x3FD2] =	sst s25  }
0xa6: {  	s4 =	sshll.u32 s26, $0x1;
	_ =	strace $0x80000046;
	[dreg:$0x1] =	wrdreg $0xFFFFFFFF  }
0xa7: {  	s28 =	simm.s32 $_size_execute0_lowered;
	s2 =	sadd.s32 s2, s4;
	[dreg:$0x0] =	wrdreg $0x0  }
0xa8: {  	s4 =	sshll.u32 s28, $0x1;
	[dreg:$0x2] =	wrdreg s2  }
0xa9: {  	[dreg:$0x3] =	wrdreg s4  }
0xaa: {  	[dreg:$0x4] =	wrdreg $0xC0  }
0xab: {  	_ =	task [dreg:s6], $0x5FFFF  }
0xac: {  	[dreg:$0x1] =	wrdreg $0xFFFFFFFF  }
0xad: {  	[dreg:$0x0] =	wrdreg $0x60  }
0xae: {  	[dreg:$0x2] =	wrdreg s24  }
0xaf: {  	[dreg:$0x3] =	wrdreg $0x9  }
0xb0: {  	_ =	task.clear_ibuf [dreg:s6], $0x4FFFF;
	_ =	strace $0x90000046  }
0xb1: {  	s29 =	simm.s32 $0x9;
	_ =	strace $0x80000048  }
0xb2: {  	_ =	swait.ge [sflag:s29], $0x1  }
0xb3: {  	[sflag:s29] =	ssyncadd.s32 $0xFFFFFFFF  }
0xb4: {  	_ =	strace $0x90000048  }
0xb5: {  	_ =	sfence  }
0xb6: {  	s30 =	sld [smem:$0x0];
	_ =	sdelay $0x2  }
0xb7: {  	s31 =	sshll.u32 s1, $0xD;
	s1 =	sshrl.u32 s1, $0x2  }
0xb8: {  	s3 =	sand.u32 $0x4000, s31;
	s1 =	sadd.s32 s1, s30  }
0xb9: {  	s0 =	sor.u32 s3, s0;
	s1 =	sshll.u32 s1, $0x11  }
0xba: {  	s0 =	sor.u32 s1, s0  }
0xbb: {  	s0 =	sadd.s32 $0x8F2B, s0  }
0xbc: {  	[sflag:s0] =	ssyncadd.remote.s32 $0x1  }
0xbd: {  	_ =	sfence.sel $0xFFFF  }
0xbe: {  	[dreg:$0x0] =	wrdreg $0xFFFFFFFF;
	(pc) =	sbr.abs _section_cstart, $3  }
0xbf: {  	[dreg:$0x1] =	wrdreg $0xFFFFFFFF  }
0xc0: {  	_ =	task.clear_ibuf [dreg:s6], $0x2FFFF;
	_ =	strace $0x9FFFFFFF  }
0xc1: {  	(tm) =	ssettm $0x7FFFFFFF  }
tec
execute0_lowered:
.L_overlay_start_1:
0x0: {  	(tag) =	ssettag $0x1  }
0x1: {  	s2 =	rddreg [dreg:$0x0]  }
0x2: {  	s0 =	rddreg [dreg:$0x1]  }
0x3: {  	s4 =	srdreg.scid;
	s1 =	stileid.u32  }
0x4: {  	s3 =	simm.s32 $0x0;
	s9 =	simm.s32 $0x1900000;
	s10 =	simm.s32 $0x2  }
0x5: {  	s11 =	simm.s32 $0x1;
	s12 =	simm.s32 $0xC800;
	s13 =	simm.s32 $0x0  }
0x6: {  	s4 =	sand.u32 $0x1, s4;
	s5 =	sshll.u32 s1, $0x1;
	[smem:$0x7FF] =	sst s3  }
0x7: {  	s5 =	sor.u32 s4, s5;
	s6 =	ssub.s32 $0x2, s4;
	_ =	strace $0x80000047  }
0x8: {  	s4 =	sadd.s32 $0x960000, s2;
	s7 =	sshll.u32 s5, $0x6;
	s8 =	sshrl.u32 s6, $0x1  }
0x9: {  	s5 =	smul.u32 $0x19000, s5;
	s7 =	sadd.s32 s7, s2;
	s8 =	ssub.s32 s6, s8  }
0xa: {  	v0 =	vimm.f32 $0.0e+00;
	s6 =	sadd.s32 $0x9C4000, s7;
	s7 =	smax.u32 s8, $0x1;
	s8 =	simm.s32 $0x4000  }
.LBB2_1:
0xb: {  	v1 =	vimm.f32 $0.0e+00;
	v2 =	vimm.f32 $0.0e+00;
	v3 =	vimm.f32 $0.0e+00;
	s14 =	simm.s32 $0x0  }
.LBB2_2:
0xc: {  	s15 =	sshll.u32 s14, $0xB  }
0xd: {  	s15 =	sadd.s32 s5, s15  }
0xe: {  	s16 =	simm.s32 $0x0;
	s17 =	sadd.s32 s2, s15;
	s15 =	sshrl.u32 s15, $0x3  }
0xf: {  	[tilespmem:s16], [sflag:$0x1] =	stream.strided.gather [hbm4b:s17+s8], $0xC000, s9, s8, $0x38;
	[tilespmem:$0xCA00] =	vst v63  }
0x10: {  	s29 =	sadd.s32 s4, s15;
	s15 =	simm.s32 $0xC000  }
0x11: {  	[tilespmem:s15], [sflag:$0x2] =	stream.linear.gather [hbm4b:s29+s16], $0x800, $0x38;
	[tilespmem:$0xCA00] =	vst v63  }
0x12: {  	_ =	swait.ge [sflag:s10], $0x800  }
0x13: {  	[sflag:s10] =	ssyncset.done $0x0  }
0x14: {  	[sflag:s10] =	ssyncadd.s32 $0xFFFFF800  }
0x15: {  	_ =	swait.ge [sflag:s11], $0xC000  }
0x16: {  	s30 =	sand.u32 $0x70, s16;
	s18 =	sand.u32 $0x3C00, s16;
	[sflag:s11] =	ssyncset.done $0x0  }
0x17: {  	s17 =	sor.u32 s30, s18;
	[sflag:s11] =	ssyncadd.s32 $0xFFFF4000  }
0x18: {  	v4 =	vld [tilespmem:s17+$0x0]  }
0x19: {  	v5 =	vld [tilespmem:s17+$0x80];
	_ =	sdelay $0x1  }
0x1a: {  	v6 =	vld [tilespmem:s17+$0x100]  }
0x1b: {  	v7 =	vld [tilespmem:s17+$0x180]  }
0x1c: {  	v4 =	vmul.f32 $1.442695020e+00, v4  }
0x1d: {  	v8 =	vld [tilespmem:s17+$0x200];
	v5 =	vmul.f32 $1.442695020e+00, v5  }
0x1e: {  	(erf) = vpow2.f32 v4  }
0x1f: {  	s31 =	sand.u32 $0x7, s16;
	v4 =	vmul.f32 $1.442695020e+00, v6;
	v6 =	vld [tilespmem:s17+$0x280];
	(erf) = vpow2.f32 v5  }
0x20: {  	s18 =	sshll.u32 s31, $0x4;
	v7 =	vmul.f32 $1.442695020e+00, v7  }
0x21: {  	s18 =	sadd.s32 $0x0, s18;
	v5 =	vld [tilespmem:s15+$0x0];
	(erf) = vpow2.f32 v4  }
0x22: {  	s18 =	sor.u32 $0x380, s18;
	v8 =	vmul.f32 $1.442695020e+00, v8;
	v4 =	vld [tilespmem:s17+$0x300];
	(erf) = vpow2.f32 v7  }
0x23: {  	v7 =	vld [tilespmem:s18+$0x0]  }
0x24: {  	(erf) = vpow2.f32 v8;
	v8 =	vld [tilespmem:s17+$0x4000];
	v6 =	vmul.f32 $1.442695020e+00, v6;
	_ =	sdelay $0x1  }
0x25: {  	(erf) = vpow2.f32 v6;
	v6 =	vld [tilespmem:s17+$0x4080]  }
0x26: {  	v9 =	vmul.f32 $1.442695020e+00, v4;
	v4 =	vpop (erf)  }
0x27: {  	vm1 =	veq.s32 v5, $0x1;
	v7 =	vmul.f32 $1.442695020e+00, v7;
	v10 =	vpop (erf)  }
0x28: {  	(erf) = vpow2.f32 v9;
	v9 =	vld [tilespmem:s17+$0x4100];
	v8 =	vmul.f32 $1.442695020e+00, v8;
	v11 =	vadd.f32 v10, v4  }
0x29: {  	vm2 =	veq.s32 v5, $0x2;
	(erf) = vpow2.f32 v7;
	v10 =	vadd.f32 $0.0e+00, v10;
	v12 =	vpop (erf)  }
0x2a: {  	v7 =	vld [tilespmem:s17+$0x4180];
	v13 =	vpop (erf);
	v6 =	vmul.f32 $1.442695020e+00, v6;
	(erf) = vpow2.f32 v8;
	v11 =	vadd.f32 v12, v11  }
0x2b: {  	v10 =	vnsel vm1, $0x0, v10;
	v12 =	vnsel vm2, $0x0, v12;
	vm1 =	veq.s32 v5, $0x3  }
0x2c: {  	v10 =	vadd.f32 v12, v10;
	v12 =	vnsel vm1, $0x0, v13;
	v11 =	vadd.f32 v13, v11;
	v13 =	vld [tilespmem:s17+$0x4200]  }
0x2d: {  	vm2 =	veq.s32 v5, $0x4;
	v8 =	vpop (erf);
	v9 =	vmul.f32 $1.442695020e+00, v9  }
0x2e: {  	(erf) = vpow2.f32 v6;
	v6 =	vadd.f32 v12, v10;
	v10 =	vld [tilespmem:s17+$0x4280];
	v11 =	vadd.f32 v8, v11  }
0x2f: {  	vm1 =	veq.s32 v5, $0x5;
	v7 =	vmul.f32 $1.442695020e+00, v7;
	v8 =	vnsel vm2, $0x0, v8;
	v12 =	vpop (erf)  }
0x30: {  	(erf) = vpow2.f32 v9;
	v9 =	vld [tilespmem:s17+$0x4300];
	v6 =	vadd.f32 v8, v6;
	v11 =	vadd.f32 v12, v11  }
0x31: {  	vm2 =	veq.s32 v5, $0x6;
	v8 =	vnsel vm1, $0x0, v12;
	v12 =	vpop (erf);
	v13 =	vmul.f32 $1.442695020e+00, v13  }
0x32: {  	(erf) = vpow2.f32 v7;
	v6 =	vadd.f32 v8, v6;
	v8 =	vld [tilespmem:s17+$0x4380];
	v11 =	vadd.f32 v12, v11  }
0x33: {  	vm1 =	veq.s32 v5, $0x7;
	v7 =	vnsel vm2, $0x0, v12;
	v12 =	vpop (erf);
	v10 =	vmul.f32 $1.442695020e+00, v10  }
0x34: {  	(erf) = vpow2.f32 v13;
	v6 =	vadd.f32 v7, v6;
	v11 =	vadd.f32 v12, v11  }
0x35: {  	v7 =	vnsel vm1, $0x0, v12;
	vm1 =	veq.s32 v5, $0x8;
	v9 =	vmul.f32 $1.442695020e+00, v9;
	v13 =	vpop (erf)  }
0x36: {  	v12 =	vld [tilespmem:s17+$0x8000];
	(erf) = vpow2.f32 v10;
	v6 =	vadd.f32 v7, v6;
	v11 =	vadd.f32 v13, v11  }
0x37: {  	v10 =	vld [tilespmem:s17+$0x8080];
	v7 =	vnsel vm1, $0x0, v13;
	vm1 =	veq.s32 v5, $0x9;
	v13 =	vpop (erf);
	v8 =	vmul.f32 $1.442695020e+00, v8  }
0x38: {  	(erf) = vpow2.f32 v9;
	v6 =	vadd.f32 v7, v6;
	v11 =	vadd.f32 v13, v11  }
0x39: {  	v9 =	vld [tilespmem:s17+$0x8100];
	v7 =	vnsel vm1, $0x0, v13;
	vm1 =	veq.s32 v5, $0xA;
	v13 =	vpop (erf)  }
0x3a: {  	(erf) = vpow2.f32 v8;
	v8 =	vld [tilespmem:s17+$0x8180];
	v6 =	vadd.f32 v7, v6;
	v11 =	vadd.f32 v13, v11  }
0x3b: {  	v12 =	vmul.f32 $1.442695020e+00, v12;
	v7 =	vnsel vm1, $0x0, v13;
	vm1 =	veq.s32 v5, $0xB;
	v13 =	vpop (erf)  }
0x3c: {  	v10 =	vmul.f32 $1.442695020e+00, v10;
	v6 =	vadd.f32 v7, v6;
	v11 =	vadd.f32 v13, v11  }
0x3d: {  	(erf) = vpow2.f32 v12;
	v7 =	vnsel vm1, $0x0, v13;
	vm1 =	veq.s32 v5, $0xC;
	v12 =	vld [tilespmem:s17+$0x8200];
	v13 =	vpop (erf)  }
0x3e: {  	v9 =	vmul.f32 $1.442695020e+00, v9;
	v6 =	vadd.f32 v7, v6;
	v11 =	vadd.f32 v13, v11  }
0x3f: {  	(erf) = vpow2.f32 v10;
	v7 =	vnsel vm1, $0x0, v13;
	v8 =	vmul.f32 $1.442695020e+00, v8;
	v13 =	vpop (erf)  }
0x40: {  	v10 =	vld [tilespmem:s17+$0x8280];
	vm1 =	veq.s32 v5, $0xD;
	v6 =	vadd.f32 v7, v6;
	v11 =	vadd.f32 v13, v11  }
0x41: {  	(erf) = vpow2.f32 v9;
	v7 =	vnsel vm1, $0x0, v13;
	vm1 =	veq.s32 v5, $0xE;
	v13 =	vpop (erf)  }
0x42: {  	v9 =	vld [tilespmem:s17+$0x8300];
	v12 =	vmul.f32 $1.442695020e+00, v12;
	v6 =	vadd.f32 v7, v6;
	v11 =	vadd.f32 v13, v11  }
0x43: {  	(erf) = vpow2.f32 v8;
	v7 =	vnsel vm1, $0x0, v13;
	v8 =	vpop (erf)  }
0x44: {  	(erf) = vpow2.f32 v12;
	v12 =	vadd.f32 v7, v6;
	v6 =	vld [tilespmem:s17+$0x8380];
	v11 =	vadd.f32 v8, v11  }
0x45: {  	vm1 =	veq.s32 v5, $0xF;
	v10 =	vmul.f32 $1.442695020e+00, v10  }
0x46: {  	s19 =	simm.s32 $0x10;
	s18 =	simm.s32 $0x80;
	vm0 =	vgt.s32 v5, $0x0;
	v13 =	vnsel vm1, $0x0, v8;
	vm1 =	veq.s32 v5, $0x10;
	v14 =	vpop (erf)  }
0x47: {  	s19 =	sand.u32 $0x70, s19;
	s20 =	sand.u32 $0x3C00, s18;
	v7 =	vmul.f32 $1.442695020e+00, v9;
	(erf) = vpow2.f32 v10;
	v8 =	vadd.f32 v14, v11  }
0x48: {  	s17 =	sor.u32 s19, s20;
	s19 =	simm.s32 $0x20;
	v12 =	vadd.f32 v13, v12;
	v14 =	vnsel vm1, $0x0, v14;
	vm1 =	veq.s32 v5, $0x11;
	v11 =	vpop (erf)  }
.LBB2_3:
0x49: {  	p0 =	sne.s32 s19, $0x7F0;
	v9 =	vld [tilespmem:s17+$0x0];
	v8 =	vadd.f32 v11, v8;
	v6 =	vmul.f32 $1.442695020e+00, v6;
	(erf) = vpow2.f32 v7  }
0x4a: {  	v11 =	vnsel vm1, $0x0, v11;
	vm1 =	veq.s32 v5, $0x12;
	v7 =	vld [tilespmem:s17+$0x80];
	v10 =	vadd.f32 v14, v12;
	v12 =	vpop (erf)  }
0x4b: {  	v8 =	vadd.f32 v12, v8;
	v12 =	vnsel vm1, $0x0, v12;
	(erf) = vpow2.f32 v6  }
0x4c: {  	vm1 =	veq.s32 v5, $0x13;
	v6 =	vld [tilespmem:s17+$0x100];
	v10 =	vadd.f32 v11, v10;
	v11 =	vsel vm0, $0x3F800000, v0;
	v13 =	vpop (erf)  }
0x4d: {  	vm0 =	veq.s32 v5, $0x17;
	v8 =	vadd.f32 v13, v8;
	v13 =	vnsel vm1, $0x0, v13  }
0x4e: {  	vm1 =	veq.s32 v5, $0x14;
	v9 =	vmul.f32 $1.442695020e+00, v9;
	v14 =	vld [tilespmem:s17+$0x180];
	v16 =	vadd.f32 v12, v10;
	v12 =	vpop (erf)  }
0x4f: {  	v7 =	vmul.f32 $1.442695020e+00, v7;
	v15 =	vld [tilespmem:s17+$0x200];
	v8 =	vadd.f32 v12, v8;
	v12 =	vnsel vm1, $0x0, v12  }
0x50: {  	vm1 =	veq.s32 v5, $0x15;
	(erf) = vpow2.f32 v9;
	v9 =	vadd.f32 v13, v16;
	v10 =	vpop (erf)  }
0x51: {  	s16 =	sadd.s32 $0x1, s16;
	v6 =	vmul.f32 $1.442695020e+00, v6;
	(erf) = vpow2.f32 v7;
	v7 =	vadd.f32 v10, v8  }
0x52: {  	s15 =	sadd.s32 $0x10, s15;
	s20 =	sand.u32 $0x7, s16;
	v10 =	vnsel vm1, $0x0, v10;
	vm1 =	veq.s32 v5, $0x16;
	v8 =	vld [tilespmem:s17+$0x280];
	v9 =	vadd.f32 v12, v9;
	v12 =	vpop (erf)  }
0x53: {  	s20 =	sshll.u32 s20, $0x4;
	v5 =	vld [tilespmem:s15+$0x0];
	v13 =	vmul.f32 $1.442695020e+00, v14;
	(erf) = vpow2.f32 v6;
	v6 =	vadd.f32 v12, v7  }
0x54: {  	s20 =	sadd.s32 s20, s18;
	v7 =	vmul.f32 $1.442695020e+00, v15;
	v14 =	vld [tilespmem:s17+$0x300];
	v9 =	vadd.f32 v10, v9;
	v10 =	vnsel vm1, $0x0, v12;
	v12 =	vpop (erf)  }
0x55: {  	s20 =	sor.u32 $0x380, s20;
	(erf) = vpow2.f32 v13;
	v6 =	vadd.f32 v12, v6;
	v12 =	vnsel vm0, $0x0, v12  }
0x56: {  	v1 =	vadd.f32 v11, v1;
	v13 =	vld [tilespmem:s20+$0x0];
	(erf) = vpow2.f32 v7;
	v7 =	vadd.f32 v10, v9  }
0x57: {  	v8 =	vmul.f32 $1.442695020e+00, v8;
	(erf) = vrcp.f32 v6  }
0x58: {  	v6 =	vld [tilespmem:s17+$0x4000];
	vm0 =	vgt.s32 v5, $0x0;
	v7 =	vadd.f32 v12, v7  }
0x59: {  	vm1 =	veq.s32 v5, $0x7;
	v9 =	vmul.f32 $1.442695020e+00, v14;
	v10 =	vpop (erf);
	(erf) = vpow2.f32 v8  }
0x5a: {  	vm4 =	veq.s32 v5, $0x4;
	vm3 =	veq.s32 v5, $0x5;
	vm2 =	veq.s32 v5, $0x6;
	v8 =	vld [tilespmem:s17+$0x4080];
	v11 =	vpop (erf)  }
0x5b: {  	v12 =	vadd.f32 v11, v10;
	v16 =	vmul.f32 $1.442695020e+00, v13;
	v14 =	vld [tilespmem:s17+$0x4100];
	(erf) = vpow2.f32 v9  }
0x5c: {  	vm5 =	veq.s32 v5, $0x1;
	vm6 =	veq.s32 v5, $0x2;
	v9 =	vadd.f32 $0.0e+00, v11;
	v11 =	vpop (erf)  }
0x5d: {  	v12 =	vadd.f32 v11, v12;
	v6 =	vmul.f32 $1.442695020e+00, v6;
	v15 =	vld [tilespmem:s17+$0x4180];
	(erf) = vpow2.f32 v16  }
0x5e: {  	v9 =	vnsel vm5, $0x0, v9;
	v11 =	vnsel vm6, $0x0, v11;
	vm5 =	veq.s32 v5, $0x3;
	v13 =	vpop (erf)  }
0x5f: {  	v12 =	vadd.f32 v13, v12;
	v8 =	vmul.f32 $1.442695020e+00, v8;
	v16 =	vpop (erf);
	(erf) = vpow2.f32 v6  }
0x60: {  	v6 =	vadd.f32 v11, v9;
	v9 =	vnsel vm5, $0x0, v13;
	v11 =	vmul.f32 $1.442695020e+00, v14;
	v13 =	vld [tilespmem:s17+$0x4200];
	v14 =	vpop (erf)  }
0x61: {  	v12 =	vadd.f32 v16, v12;
	(erf) = vpow2.f32 v8;
	v8 =	vmul.f32 v14, v4;
	v4 =	vmovc v10  }
0x62: {  	v6 =	vadd.f32 v9, v6;
	v9 =	vnsel vm4, $0x0, v16;
	v10 =	vmul.f32 $1.442695020e+00, v15;
	v15 =	vld [tilespmem:s17+$0x4280];
	v16 =	vpop (erf)  }
0x63: {  	v12 =	vadd.f32 v16, v12;
	(erf) = vpow2.f32 v11;
	v2 =	vadd.f32 v8, v2  }
0x64: {  	v7 =	vmul.f32 v14, v7;
	v6 =	vadd.f32 v9, v6;
	v8 =	vnsel vm3, $0x0, v16;
	v9 =	vld [tilespmem:s17+$0x4300];
	v11 =	vpop (erf)  }
0x65: {  	v12 =	vadd.f32 v11, v12;
	v14 =	vmul.f32 $1.442695020e+00, v13;
	(erf) = vpow2.f32 v10  }
0x66: {  	v3 =	vadd.f32 v7, v3;
	v6 =	vadd.f32 v8, v6;
	v8 =	vnsel vm2, $0x0, v11;
	v10 =	vld [tilespmem:s17+$0x4380];
	v11 =	vpop (erf)  }
0x67: {  	v7 =	vadd.f32 v11, v12;
	v12 =	vmul.f32 $1.442695020e+00, v15;
	(erf) = vpow2.f32 v14  }
0x68: {  	v6 =	vadd.f32 v8, v6;
	v8 =	vnsel vm1, $0x0, v11;
	vm1 =	veq.s32 v5, $0x8;
	v11 =	vld [tilespmem:s17+$0x8000];
	v13 =	vpop (erf)  }
0x69: {  	v7 =	vadd.f32 v13, v7;
	v9 =	vmul.f32 $1.442695020e+00, v9;
	(erf) = vpow2.f32 v12  }
0x6a: {  	v6 =	vadd.f32 v8, v6;
	v8 =	vnsel vm1, $0x0, v13;
	vm1 =	veq.s32 v5, $0x9;
	v12 =	vld [tilespmem:s17+$0x8080];
	v13 =	vpop (erf)  }
0x6b: {  	v7 =	vadd.f32 v13, v7;
	v10 =	vmul.f32 $1.442695020e+00, v10;
	(erf) = vpow2.f32 v9  }
0x6c: {  	v6 =	vadd.f32 v8, v6;
	v8 =	vnsel vm1, $0x0, v13;
	vm1 =	veq.s32 v5, $0xA;
	v9 =	vld [tilespmem:s17+$0x8100];
	v13 =	vpop (erf)  }
0x6d: {  	v7 =	vadd.f32 v13, v7;
	v11 =	vmul.f32 $1.442695020e+00, v11;
	(erf) = vpow2.f32 v10  }
0x6e: {  	v6 =	vadd.f32 v8, v6;
	v8 =	vnsel vm1, $0x0, v13;
	vm1 =	veq.s32 v5, $0xB;
	v10 =	vld [tilespmem:s17+$0x8180];
	v13 =	vpop (erf)  }
0x6f: {  	v7 =	vadd.f32 v13, v7;
	v12 =	vmul.f32 $1.442695020e+00, v12;
	(erf) = vpow2.f32 v11  }
0x70: {  	v6 =	vadd.f32 v8, v6;
	v8 =	vnsel vm1, $0x0, v13;
	vm1 =	veq.s32 v5, $0xC;
	v11 =	vld [tilespmem:s17+$0x8200];
	v13 =	vpop (erf)  }
0x71: {  	v7 =	vadd.f32 v13, v7;
	v9 =	vmul.f32 $1.442695020e+00, v9;
	(erf) = vpow2.f32 v12  }
0x72: {  	v6 =	vadd.f32 v8, v6;
	v8 =	vnsel vm1, $0x0, v13;
	vm1 =	veq.s32 v5, $0xD;
	v12 =	vld [tilespmem:s17+$0x8280];
	v13 =	vpop (erf)  }
0x73: {  	v7 =	vadd.f32 v13, v7;
	v10 =	vmul.f32 $1.442695020e+00, v10;
	(erf) = vpow2.f32 v9  }
0x74: {  	v6 =	vadd.f32 v8, v6;
	v8 =	vnsel vm1, $0x0, v13;
	vm1 =	veq.s32 v5, $0xE;
	v9 =	vld [tilespmem:s17+$0x8300];
	v13 =	vpop (erf)  }
0x75: {  	v7 =	vadd.f32 v13, v7;
	v11 =	vmul.f32 $1.442695020e+00, v11;
	(erf) = vpow2.f32 v10  }
.Ltmp0:
0x76: {  	v8 =	vadd.f32 v8, v6;
	v10 =	vnsel vm1, $0x0, v13;
	vm1 =	veq.s32 v5, $0xF;
	v6 =	vld [tilespmem:s17+$0x8380];
	v13 =	vpop (erf);
	(pc) =	sbr.rel @p0 .LBB2_3-.Ltmp0, $4  }
0x77: {  	v7 =	vadd.f32 v13, v7;
	v12 =	vmul.f32 $1.442695020e+00, v12;
	(erf) = vpow2.f32 v11  }
0x78: {  	s18 =	sadd.s32 $0x80, s18;
	v10 =	vadd.f32 v10, v8;
	v15 =	vnsel vm1, $0x0, v13;
	vm1 =	veq.s32 v5, $0x10;
	v13 =	vpop (erf)  }
0x79: {  	s20 =	sand.u32 $0x3C00, s18;
	s17 =	sand.u32 $0x70, s19;
	v8 =	vadd.f32 v13, v7;
	v7 =	vmul.f32 $1.442695020e+00, v9;
	(erf) = vpow2.f32 v12  }
0x7a: {  	s19 =	sadd.s32 $0x10, s19;
	s17 =	sor.u32 s17, s20;
	v12 =	vadd.f32 v15, v10;
	v14 =	vnsel vm1, $0x0, v13;
	vm1 =	veq.s32 v5, $0x11;
	v11 =	vpop (erf)  }
0x7b: {  	v8 =	vadd.f32 v11, v8  }
0x7c: {  	v16 =	vpop (erf)  }
0x7d: {  	v9 =	vld [tilespmem:s17+$0x0];
	v6 =	vmul.f32 $1.442695020e+00, v6;
	(erf) = vpow2.f32 v7;
	v8 =	vadd.f32 v16, v8  }
0x7e: {  	v35 =	vld [tilespmem:s17+$0x80]  }
0x7f: {  	(erf) = vpow2.f32 v6;
	v13 =	vpop (erf)  }
0x80: {  	v36 =	vld [tilespmem:s17+$0x100];
	v10 =	vadd.f32 v13, v8  }
0x81: {  	v8 =	vpop (erf)  }
0x82: {  	v15 =	vld [tilespmem:s17+$0x180];
	v9 =	vmul.f32 $1.442695020e+00, v9;
	v10 =	vadd.f32 v8, v10  }
0x83: {  	v17 =	vmul.f32 $1.442695020e+00, v35;
	v7 =	vpop (erf)  }
0x84: {  	v18 =	vld [tilespmem:s17+$0x200];
	(erf) = vpow2.f32 v9;
	v10 =	vadd.f32 v7, v10  }
0x85: {  	s16 =	sadd.s32 $0x1, s16;
	v6 =	vmul.f32 $1.442695020e+00, v36;
	(erf) = vpow2.f32 v17  }
0x86: {  	v37 =	vld [tilespmem:s17+$0x280];
	s16 =	sand.u32 $0x7, s16;
	v9 =	vpop (erf)  }
0x87: {  	s16 =	sshll.u32 s16, $0x4;
	v15 =	vmul.f32 $1.442695020e+00, v15;
	(erf) = vpow2.f32 v6;
	v38 =	vadd.f32 v9, v10  }
0x88: {  	v19 =	vld [tilespmem:s17+$0x300];
	s16 =	sadd.s32 s16, s18;
	v10 =	vpop (erf)  }
0x89: {  	s16 =	sor.u32 $0x380, s16;
	v18 =	vmul.f32 $1.442695020e+00, v18;
	(erf) = vpow2.f32 v15;
	v6 =	vadd.f32 v10, v38  }
0x8a: {  	v39 =	vld [tilespmem:s16+$0x0]  }
0x8b: {  	v17 =	vmul.f32 $1.442695020e+00, v37;
	(erf) = vpow2.f32 v18  }
0x8c: {  	v40 =	vld [tilespmem:s17+$0x4000];
	(erf) = vrcp.f32 v6  }
0x8d: {  	v19 =	vmul.f32 $1.442695020e+00, v19;
	v6 =	vpop (erf);
	(erf) = vpow2.f32 v17  }
0x8e: {  	v41 =	vld [tilespmem:s17+$0x4080];
	v20 =	vpop (erf)  }
0x8f: {  	v42 =	vld [tilespmem:s17+$0x4100];
	v22 =	vmul.f32 $1.442695020e+00, v39;
	(erf) = vpow2.f32 v19;
	v21 =	vadd.f32 v20, v6  }
0x90: {  	s15 =	sadd.s32 $0x10, s15;
	v26 =	vld [tilespmem:s17+$0x4200];
	v23 =	vpop (erf)  }
0x91: {  	v15 =	vld [tilespmem:s15+$0x0];
	v18 =	vmul.f32 $1.442695020e+00, v40;
	(erf) = vpow2.f32 v22;
	v21 =	vadd.f32 v23, v21  }
0x92: {  	v43 =	vld [tilespmem:s17+$0x4180];
	v24 =	vpop (erf)  }
0x93: {  	v25 =	vmul.f32 $1.442695020e+00, v41;
	(erf) = vpow2.f32 v18;
	v21 =	vadd.f32 v24, v21  }
0x94: {  	v44 =	vpop (erf)  }
0x95: {  	v45 =	vld [tilespmem:s17+$0x4280];
	v19 =	vmul.f32 $1.442695020e+00, v42;
	v17 =	vpop (erf);
	(erf) = vpow2.f32 v25;
	v21 =	vadd.f32 v44, v21  }
0x96: {  	v12 =	vadd.f32 v14, v12;
	v26 =	vmul.f32 $1.442695020e+00, v26;
	vm2 =	veq.s32 v15, $0x1;
	v27 =	vpop (erf)  }
0x97: {  	v48 =	vld [tilespmem:s17+$0x4300];
	v22 =	vmul.f32 $1.442695020e+00, v43;
	(erf) = vpow2.f32 v19;
	v21 =	vadd.f32 v27, v21  }
0x98: {  	vm3 =	veq.s32 v15, $0x2;
	vm12 =	veq.s32 v15, $0x3;
	v20 =	vadd.f32 $0.0e+00, v20;
	v28 =	vpop (erf)  }
0x99: {  	v50 =	vld [tilespmem:s17+$0x4380];
	vm13 =	veq.s32 v15, $0x4;
	(erf) = vpow2.f32 v22;
	v21 =	vadd.f32 v28, v21  }
0x9a: {  	v47 =	vnsel vm3, $0x0, v23;
	v46 =	vnsel vm2, $0x0, v20;
	v25 =	vmul.f32 $1.442695020e+00, v45;
	v51 =	vpop (erf)  }
0x9b: {  	v52 =	vld [tilespmem:s17+$0x8000];
	v19 =	vadd.f32 v47, v46;
	(erf) = vpow2.f32 v26;
	v21 =	vadd.f32 v51, v21  }
0x9c: {  	vm14 =	veq.s32 v15, $0x5;
	v49 =	vnsel vm12, $0x0, v24;
	v23 =	vmul.f32 $1.442695020e+00, v48;
	v53 =	vpop (erf)  }
0x9d: {  	v55 =	vld [tilespmem:s17+$0x8080];
	v19 =	vadd.f32 v49, v19;
	(erf) = vpow2.f32 v25;
	v21 =	vadd.f32 v53, v21  }
0x9e: {  	vm15 =	veq.s32 v15, $0x6;
	v18 =	vnsel vm13, $0x0, v44;
	v22 =	vmul.f32 $1.442695020e+00, v50;
	v56 =	vpop (erf)  }
0x9f: {  	v58 =	vld [tilespmem:s17+$0x8100];
	v18 =	vadd.f32 v18, v19;
	(erf) = vpow2.f32 v23;
	v21 =	vadd.f32 v56, v21  }
0xa0: {  	vm4 =	veq.s32 v15, $0x7;
	v20 =	vmul.f32 $1.442695020e+00, v52;
	v54 =	vnsel vm14, $0x0, v27;
	v59 =	vpop (erf)  }
0xa1: {  	v61 =	vld [tilespmem:s17+$0x8180];
	v18 =	vadd.f32 v54, v18;
	(erf) = vpow2.f32 v22;
	v21 =	vadd.f32 v59, v21  }
0xa2: {  	vm5 =	veq.s32 v15, $0x8;
	v57 =	vnsel vm15, $0x0, v28;
	v25 =	vmul.f32 $1.442695020e+00, v55;
	v62 =	vpop (erf)  }
0xa3: {  	v63 =	vld [tilespmem:s17+$0x8200];
	v18 =	vadd.f32 v57, v18;
	(erf) = vpow2.f32 v20;
	v21 =	vadd.f32 v62, v21  }
0xa4: {  	vm6 =	veq.s32 v15, $0x9;
	v60 =	vnsel vm4, $0x0, v51;
	v23 =	vmul.f32 $1.442695020e+00, v58;
	v30 =	vpop (erf)  }
0xa5: {  	v32 =	vld [tilespmem:s17+$0x8280];
	v18 =	vadd.f32 v60, v18;
	(erf) = vpow2.f32 v25;
	v21 =	vadd.f32 v30, v21  }
0xa6: {  	vm7 =	veq.s32 v15, $0xA;
	v29 =	vnsel vm5, $0x0, v53;
	v22 =	vmul.f32 $1.442695020e+00, v61;
	v33 =	vpop (erf)  }
0xa7: {  	v34 =	vld [tilespmem:s17+$0x8300];
	v18 =	vadd.f32 v29, v18;
	(erf) = vpow2.f32 v23;
	v21 =	vadd.f32 v33, v21  }
0xa8: {  	vm8 =	veq.s32 v15, $0xB;
	v31 =	vnsel vm6, $0x0, v56;
	v20 =	vmul.f32 $1.442695020e+00, v63;
	v35 =	vpop (erf)  }
0xa9: {  	v37 =	vld [tilespmem:s17+$0x8380];
	(erf) = vpow2.f32 v22;
	v18 =	vadd.f32 v31, v18;
	v21 =	vadd.f32 v35, v21  }
0xaa: {  	vm9 =	veq.s32 v15, $0xC;
	v36 =	vnsel vm7, $0x0, v59;
	v25 =	vmul.f32 $1.442695020e+00, v32;
	v38 =	vpop (erf)  }
0xab: {  	v18 =	vadd.f32 v36, v18;
	(erf) = vpow2.f32 v20;
	v21 =	vadd.f32 v38, v21  }
0xac: {  	vm10 =	veq.s32 v15, $0xD;
	v24 =	vnsel vm8, $0x0, v62;
	v23 =	vmul.f32 $1.442695020e+00, v34;
	v39 =	vpop (erf)  }
0xad: {  	v18 =	vadd.f32 v24, v18;
	(erf) = vpow2.f32 v25;
	v21 =	vadd.f32 v39, v21  }
0xae: {  	vm11 =	veq.s32 v15, $0xE;
	v40 =	vnsel vm9, $0x0, v30;
	v22 =	vmul.f32 $1.442695020e+00, v37;
	v41 =	vpop (erf)  }
0xaf: {  	(erf) = vpow2.f32 v23;
	v18 =	vadd.f32 v40, v18;
	v21 =	vadd.f32 v41, v21  }
0xb0: {  	vm12 =	veq.s32 v15, $0xF;
	v45 =	vnsel vm1, $0x0, v11;
	v42 =	vnsel vm10, $0x0, v33;
	v44 =	vpop (erf)  }
0xb1: {  	(erf) = vpow2.f32 v22;
	v43 =	vadd.f32 v42, v18;
	v21 =	vadd.f32 v44, v21  }
0xb2: {  	vm13 =	veq.s32 v5, $0x12;
	v11 =	vadd.f32 v45, v12;
	v19 =	vnsel vm11, $0x0, v35;
	v46 =	vpop (erf)  }
0xb3: {  	v16 =	vnsel vm13, $0x0, v16;
	v14 =	vadd.f32 v19, v43;
	v48 =	vadd.f32 v46, v21  }
0xb4: {  	v11 =	vadd.f32 v16, v11;
	v47 =	vnsel vm12, $0x0, v38;
	v49 =	vpop (erf)  }
0xb5: {  	vm14 =	veq.s32 v15, $0x10;
	v12 =	vadd.f32 v47, v14;
	v20 =	vadd.f32 v49, v48  }
0xb6: {  	vm15 =	veq.s32 v15, $0x11;
	vm4 =	veq.s32 v5, $0x13;
	v50 =	vnsel vm14, $0x0, v39;
	v51 =	vpop (erf)  }
0xb7: {  	v13 =	vnsel vm4, $0x0, v13;
	v12 =	vadd.f32 v50, v12;
	v20 =	vadd.f32 v51, v20  }
0xb8: {  	vm5 =	veq.s32 v15, $0x12;
	v11 =	vadd.f32 v13, v11;
	v52 =	vnsel vm15, $0x0, v41;
	v53 =	vpop (erf)  }
0xb9: {  	vm6 =	veq.s32 v5, $0x14;
	v12 =	vadd.f32 v52, v12;
	v55 =	vadd.f32 v53, v20  }
0xba: {  	v8 =	vnsel vm6, $0x0, v8;
	vm7 =	veq.s32 v15, $0x13;
	v54 =	vnsel vm5, $0x0, v44;
	v56 =	vpop (erf)  }
0xbb: {  	vm8 =	veq.s32 v5, $0x15;
	v12 =	vadd.f32 v54, v12;
	v18 =	vadd.f32 v56, v55  }
0xbc: {  	v8 =	vadd.f32 v8, v11;
	v7 =	vnsel vm8, $0x0, v7;
	v19 =	vnsel vm7, $0x0, v46  }
0xbd: {  	vm9 =	veq.s32 v15, $0x14;
	v57 =	vadd.f32 v19, v12;
	(erf) = vrcp.f32 v18  }
0xbe: {  	v7 =	vadd.f32 v7, v8;
	vm10 =	veq.s32 v5, $0x16;
	v58 =	vnsel vm9, $0x0, v49  }
0xbf: {  	v9 =	vnsel vm10, $0x0, v9;
	vm11 =	veq.s32 v15, $0x15;
	v8 =	vadd.f32 v58, v57  }
0xc0: {  	vm12 =	veq.s32 v5, $0x17;
	v5 =	vadd.f32 v9, v7;
	v59 =	vnsel vm11, $0x0, v51  }
0xc1: {  	vm13 =	veq.s32 v15, $0x16;
	v60 =	vnsel vm12, $0x0, v10;
	v7 =	vadd.f32 v59, v8  }
0xc2: {  	v4 =	vmul.f32 v17, v4;
	v5 =	vadd.f32 v60, v5;
	v61 =	vnsel vm13, $0x0, v53  }
0xc3: {  	s14 =	sadd.s32 $0x1, s14;
	vm14 =	veq.s32 v15, $0x17;
	v7 =	vadd.f32 v61, v7  }
0xc4: {  	p0 =	sne.s32 s14, $0x32;
	v5 =	vmul.f32 v17, v5;
	v63 =	vnsel vm14, $0x0, v56  }
.Ltmp1:
0xc5: {  	v2 =	vadd.f32 v4, v2;
	v62 =	vsel vm0, $0x3F800000, v0;
	v7 =	vadd.f32 v63, v7;
	(pc) =	sbr.rel @p0 .LBB2_2-.Ltmp1, $4  }
0xc6: {  	v1 =	vadd.f32 v62, v1;
	vm15 =	vgt.s32 v15, $0x0;
	v3 =	vadd.f32 v5, v3;
	v4 =	vpop (erf)  }
0xc7: {  	v5 =	vsel vm15, $0x3F800000, v0;
	v6 =	vmul.f32 v4, v6;
	v4 =	vmul.f32 v4, v7  }
0xc8: {  	v1 =	vadd.f32 v5, v1  }
0xc9: {  	v2 =	vadd.f32 v6, v2;
	v3 =	vadd.f32 v4, v3  }
0xca: {  	[tilespmem:$0xC900] =	vst v1;
	s13 =	sadd.s32 $0x1, s13  }
0xcb: {  	[tilespmem:$0xC800] =	vst v3;
	p0 =	sne.s32 s13, s7  }
.Ltmp2:
0xcc: {  	[tilespmem:$0xC880] =	vst v2;
	(pc) =	sbr.rel @p0 .LBB2_1-.Ltmp2, $4  }
0xcd: {  	[hbm4b:s6+s3] =	stream.linear.scatter [tilespmem:s12], [sflag:$0x2], $0x180, $0x38;
	[tilespmem:$0xCA00] =	vst v63  }
0xce: {  	_ =	swait.ge [sflag:s10], $0x180  }
0xcf: {  	[sflag:s10] =	ssyncset.done $0x0  }
0xd0: {  	[sflag:s10] =	ssyncadd.s32 $0xFFFFFE80  }
0xd1: {  	_ =	sfence.sel $0x180000  }
0xd2: {  	[bflag:$0x0] =	sbarrier.arrive $0xFFFF  }
0xd3: {  	p0 =	sne.s32 s1, $0x0;
	_ =	strace $0x90000047  }
0xd4: {  	s0 =	sadd.s32 @!p0 $0x100000, s0;
	[bflag:$0x2] =	sbarrier.arrive $0xFFFF  }
0xd5: {  	[sflag:s0] =	ssyncadd.tile.s32 @!p0 $0x1;
	_ =	shalt  }
.Lfunc_end2:
_tile_overlayer_lowered:
.L_overlay_start_2:
0xd6: {  	(tag) =	ssettag $0x2  }
0xd7: {  	s0 =	rddreg [dreg:$0x0];
	s2 =	stileid.u32  }
0xd8: {  	s1 =	rddreg [dreg:$0x1];
	p0 =	sne.s32 s2, $0x0  }
0xd9: {  	s3 =	rddreg [dreg:$0x2];
	[bflag:$0x3] =	sbarrier.arrive $0xFFFF;
	s2 =	simm.s32 @!p0 $0x1C02  }
0xda: {  	[timem:s3], [sflag:s2] =	dma.local @!p0 [hbm:s0], s1  }
0xdb: {  	s0 =	simm.s32 @!p0 $0x2  }
0xdc: {  	_ =	swait.ge @!p0 [sflag:s0], s1  }
0xdd: {  	s1 =	ssub.s32 @!p0 $0x0, s1;
	[sflag:s0] =	ssyncset.done @!p0 $0x0  }
0xde: {  	[sflag:s0] =	ssyncadd.s32 @!p0 s1  }
0xdf: {  	[bflag:$0x3] =	sbarrier.arrive $0xFFFF  }
0xe0: {  	_ =	shalt  }

</sc_bundles>
